<compile_context>
chip_gen: v7x
topology: tpu7x:2x2x1
jax: 0.10.2.dev20260603
libtpu: 0.0.44.dev20260713+nightly
codegen_flags: <defaults>
</compile_context>

<pallas_src>
import functools

import jax
import jax.numpy as jnp
from jax import lax
from jax.experimental import pallas as pl
from jax.experimental.pallas import tpu as pltpu
from jax.experimental.pallas import tpu_sc as plsc

WALK_LEN = 50
BATCH = 4096
D = 64
C = 128
NC, NS = 2, 16
NW = NC * NS


def _sc_embed(nidx, eidx, ntab, etab, npos_f, epos_f):
    mesh = plsc.VectorSubcoreMesh(core_axis_name="c", subcore_axis_name="s")

    @functools.partial(
        pl.kernel,
        mesh=mesh,
        compiler_params=pltpu.CompilerParams(use_tc_tiling_on_sc=False),
        out_type=jax.ShapeDtypeStruct((2 * WALK_LEN * BATCH, D), jnp.float32),
        scratch_types=[
            pltpu.VMEM((WALK_LEN, C), jnp.int32),
            pltpu.VMEM((C, D), jnp.float32),
            pltpu.VMEM((C, D), jnp.float32),
            pltpu.VMEM((WALK_LEN * D,), jnp.float32),
            pltpu.VMEM((WALK_LEN * D,), jnp.float32),
            pltpu.SemaphoreType.DMA,
            pltpu.SemaphoreType.DMA,
        ],
    )
    def k(nidx_hbm, eidx_hbm, ntab_hbm, etab_hbm, npos_hbm, epos_hbm,
          out_hbm, idx_all_v, rows0_v, rows1_v, npos_v, epos_v,
          sem0, sem1):
        wid = lax.axis_index("s") * NC + lax.axis_index("c")
        pltpu.sync_copy(npos_hbm, npos_v)
        pltpu.sync_copy(epos_hbm, epos_v)
        bufs = ((rows0_v, sem0), (rows1_v, sem1))

        def do_table(idx_hbm, tab_hbm, pos_v, out_row_off):
            pltpu.sync_copy(idx_hbm.at[:, pl.ds(wid * C, C)], idx_all_v)

            def start(l, b):
                rows_v, sem = bufs[b]
                return pltpu.async_copy(tab_hbm.at[idx_all_v.at[l]],
                                        rows_v, sem)

            def process(l, b):
                rows_v, sem = bufs[b]
                pltpu.make_async_copy(tab_hbm.at[idx_all_v.at[l]], rows_v,
                                      sem).wait()
                pos_vecs = [pos_v[pl.ds(D * l + 16 * d4, 16)]
                            for d4 in range(D // 16)]

                @plsc.parallel_loop(0, C, unroll=8)
                def _(r):
                    for d4 in range(D // 16):
                        sl = pl.ds(16 * d4, 16)
                        rows_v[r, sl] = rows_v[r, sl] + pos_vecs[d4]
                pltpu.sync_copy(
                    rows_v,
                    out_hbm.at[pl.ds(out_row_off + l * BATCH + wid * C, C)])

            start(0, 0)

            def body(kk, _):
                start(2 * kk + 1, 1)
                process(2 * kk, 0)
                start(2 * kk + 2, 0)
                process(2 * kk + 1, 1)
                return 0

            lax.fori_loop(0, WALK_LEN // 2 - 1, body, 0)
            start(WALK_LEN - 1, 1)
            process(WALK_LEN - 2, 0)
            process(WALK_LEN - 1, 1)

        do_table(nidx_hbm, ntab_hbm, npos_v, 0)
        do_table(eidx_hbm, etab_hbm, epos_v, WALK_LEN * BATCH)

    return k(nidx, eidx, ntab, etab, npos_f, epos_f)


def kernel(node_idx, edge_idx, node_table, edge_table, node_pos, edge_pos):
    nidx = node_idx.astype(jnp.int32)
    eidx = edge_idx.astype(jnp.int32)
    out = _sc_embed(nidx, eidx, node_table, edge_table,
                    node_pos.reshape(-1), edge_pos.reshape(-1))
    return out.reshape(2 * WALK_LEN, BATCH, D)

# --- scband reference (transcript-rebuilt; emitter-appended) ---
"""Pipeline reference for scband-prog-walk-tok-embed-40166534152578 (READ-ONLY COPY).

The authoritative reference and input builder live on the scoring server;
editing this copy changes nothing except your own understanding.
"""

import jax, jax.numpy as jnp
import numpy as np

NUM_NODE_TYPES = 1000000
NUM_EDGE_TYPES = 100000
EMBED_DIM = 64
WALK_LEN = 50
BATCH = 4096
MAX_LEN = 50


def setup_inputs(seed: int = 0) -> dict:
    key = jax.random.key(seed)
    k1, k2, k3, k4, k5, k6 = jax.random.split(key, 6)
    node_idx = jax.random.randint(k1, (WALK_LEN, BATCH), 0, NUM_NODE_TYPES, dtype=jnp.int64 if jax.config.jax_enable_x64 else jnp.int32)
    edge_idx = jax.random.randint(k2, (WALK_LEN, BATCH), 0, NUM_EDGE_TYPES, dtype=jnp.int64 if jax.config.jax_enable_x64 else jnp.int32)
    node_table = jax.random.normal(k3, (NUM_NODE_TYPES, EMBED_DIM), dtype=jnp.float32) * 0.02
    edge_table = jax.random.normal(k4, (NUM_EDGE_TYPES, EMBED_DIM), dtype=jnp.float32) * 0.02
    node_pos = jax.random.normal(k5, (MAX_LEN, EMBED_DIM), dtype=jnp.float32) * 0.02
    edge_pos = jax.random.normal(k6, (MAX_LEN, EMBED_DIM), dtype=jnp.float32) * 0.02
    return {
        "node_idx": node_idx,
        "edge_idx": edge_idx,
        "node_table": node_table,
        "edge_table": edge_table,
        "node_pos": node_pos,
        "edge_pos": edge_pos,
    }


def reference(node_idx, edge_idx, node_table, edge_table, node_pos, edge_pos):
    # nn.Embedding lookups
    node_embed = jnp.take(node_table, node_idx, axis=0)  # [L, B, D]
    edge_embed = jnp.take(edge_table, edge_idx, axis=0)  # [L, B, D]
    # LearnedPosEncoder: pe = pos_embed[:x.size(0)], unsqueeze middle dims, add (dropout p=0.0 -> identity)
    pe_n = node_pos[: node_embed.shape[0]]  # [L, D]
    pe_n = pe_n[:, None, :]  # [L, 1, D]
    node_embed = node_embed + pe_n
    pe_e = edge_pos[: edge_embed.shape[0]]
    pe_e = pe_e[:, None, :]
    edge_embed = edge_embed + pe_e
    return jnp.concatenate((node_embed, edge_embed), axis=0)  # [2L, B, D]

if __name__ == "__main__":
    import jax
    _d = setup_inputs()
    print(jax.jit(kernel)(*tuple(_d.values())))

</pallas_src>

<mosaic_0001>
#map = affine_map<(d0, d1) -> (0, 0)>
#map1 = affine_map<(d0, d1) -> (0)>
module attributes {stable_mosaic.version = 14 : i64} {
  func.func @k(%arg0: i32, %arg1: i32, %arg2: memref<50x4096xi32, #tpu.memory_space<hbm>>, %arg3: memref<50x4096xi32, #tpu.memory_space<hbm>>, %arg4: memref<1000000x64xf32, #tpu.memory_space<hbm>>, %arg5: memref<100000x64xf32, #tpu.memory_space<hbm>>, %arg6: memref<3200xf32, #tpu.memory_space<hbm>>, %arg7: memref<3200xf32, #tpu.memory_space<hbm>>, %arg8: memref<409600x64xf32, #tpu.memory_space<hbm>>, %arg9: memref<50x128xi32, #tpu.memory_space<vmem>>, %arg10: memref<128x64xf32, #tpu.memory_space<vmem>>, %arg11: memref<128x64xf32, #tpu.memory_space<vmem>>, %arg12: memref<3200xf32, #tpu.memory_space<vmem>>, %arg13: memref<3200xf32, #tpu.memory_space<vmem>>, %arg14: memref<!tpu.dma_semaphore, #tpu.memory_space<semaphore_mem>>, %arg15: memref<!tpu.dma_semaphore, #tpu.memory_space<semaphore_mem>>) attributes {dimension_semantics = [#tpu.dimension_semantics<core_parallel>, #tpu.dimension_semantics<subcore_parallel>], iteration_bounds = array<i64: 2, 16>, scalar_prefetch = 0 : i64, scratch_operands = 7 : i64, tpu.core_type = #tpu.core_type<sc_vector_subcore>, window_params = [{transform_indices = #map}, {transform_indices = #map}, {transform_indices = #map}, {transform_indices = #map}, {transform_indices = #map1}, {transform_indices = #map1}, {transform_indices = #map}]} {
    %mul3A = arith.constant 2 : i32
    %mul3A_0 = arith.muli %arg1, %mul3A : i32
    %add3A = arith.addi %mul3A_0, %arg0 : i32
    "tpu.region"() ({
      %run_scoped3A = tpu.sem_alloc : memref<!tpu.dma_semaphore, #tpu.memory_space<semaphore_mem>>
      tpu.enqueue_dma source(%arg6 : memref<3200xf32, #tpu.memory_space<hbm>>) target(%arg12 : memref<3200xf32, #tpu.memory_space<vmem>>) target_semaphore(%run_scoped3A : memref<!tpu.dma_semaphore, #tpu.memory_space<semaphore_mem>>)
      tpu.wait_dma2 semaphore(%run_scoped3A : memref<!tpu.dma_semaphore, #tpu.memory_space<semaphore_mem>>) src(%arg6 : memref<3200xf32, #tpu.memory_space<hbm>>) dst(%arg12 : memref<3200xf32, #tpu.memory_space<vmem>>)
      tpu.yield
    }) : () -> ()
    "tpu.region"() ({
      %run_scoped3A = tpu.sem_alloc : memref<!tpu.dma_semaphore, #tpu.memory_space<semaphore_mem>>
      tpu.enqueue_dma source(%arg7 : memref<3200xf32, #tpu.memory_space<hbm>>) target(%arg13 : memref<3200xf32, #tpu.memory_space<vmem>>) target_semaphore(%run_scoped3A : memref<!tpu.dma_semaphore, #tpu.memory_space<semaphore_mem>>)
      tpu.wait_dma2 semaphore(%run_scoped3A : memref<!tpu.dma_semaphore, #tpu.memory_space<semaphore_mem>>) src(%arg7 : memref<3200xf32, #tpu.memory_space<hbm>>) dst(%arg13 : memref<3200xf32, #tpu.memory_space<vmem>>)
      tpu.yield
    }) : () -> ()
    %mul3A_1 = arith.constant 128 : i32
    %mul3A_2 = arith.muli %add3A, %mul3A_1 : i32
    "tpu.region"() ({
      %run_scoped3A = tpu.sem_alloc : memref<!tpu.dma_semaphore, #tpu.memory_space<semaphore_mem>>
      %dma_start3A_146 = arith.constant 0 : i32
      %dma_start3A_147 = tpu.memref_slice %arg2[%dma_start3A_146, %mul3A_2] : memref<50x4096xi32, #tpu.memory_space<hbm>> -> memref<50x128xi32, #tpu.memory_space<hbm>>
      %dma_start3A_148 = arith.constant 0 : i32
      %dma_start3A_149 = tpu.memref_slice %arg2[%dma_start3A_148, %mul3A_2] : memref<50x4096xi32, #tpu.memory_space<hbm>> -> memref<50x128xi32, #tpu.memory_space<hbm>>
      tpu.enqueue_dma source(%dma_start3A_149 : memref<50x128xi32, #tpu.memory_space<hbm>>) target(%arg9 : memref<50x128xi32, #tpu.memory_space<vmem>>) target_semaphore(%run_scoped3A : memref<!tpu.dma_semaphore, #tpu.memory_space<semaphore_mem>>)
      %dma_wait3A_150 = arith.constant 0 : i32
      %dma_wait3A_151 = tpu.memref_slice %arg2[%dma_wait3A_150, %mul3A_2] : memref<50x4096xi32, #tpu.memory_space<hbm>> -> memref<50x128xi32, #tpu.memory_space<hbm>>
      %dma_wait3A_152 = arith.constant 0 : i32
      %dma_wait3A_153 = tpu.memref_slice %arg2[%dma_wait3A_152, %mul3A_2] : memref<50x4096xi32, #tpu.memory_space<hbm>> -> memref<50x128xi32, #tpu.memory_space<hbm>>
      tpu.wait_dma2 semaphore(%run_scoped3A : memref<!tpu.dma_semaphore, #tpu.memory_space<semaphore_mem>>) src(%dma_wait3A_153 : memref<50x128xi32, #tpu.memory_space<hbm>>) dst(%arg9 : memref<50x128xi32, #tpu.memory_space<vmem>>)
      tpu.yield
    }) : () -> ()
    %dma_start3A = arith.constant 0 : i32
    %dma_start3A_3 = arith.constant 0 : i32
    %dma_start3A_4 = tpu.memref_slice %arg9[%dma_start3A, %dma_start3A_3] : memref<50x128xi32, #tpu.memory_space<vmem>> -> memref<1x128xi32, #tpu.memory_space<vmem>>
    %dma_start3A_5 = tpu.memref_squeeze %dma_start3A_4 : memref<1x128xi32, #tpu.memory_space<vmem>> -> memref<128xi32, #tpu.memory_space<vmem>>
    %dma_start3A_6 = arith.constant 0 : i32
    %dma_start3A_7 = arith.constant 0 : i32
    %dma_start3A_8 = tpu.memref_slice %arg4[%dma_start3A_6, %dma_start3A_7] : memref<1000000x64xf32, #tpu.memory_space<hbm>> -> memref<1000000x64xf32, #tpu.memory_space<hbm>>
    tpu.enqueue_indirect_dma source(%dma_start3A_8 : memref<1000000x64xf32, #tpu.memory_space<hbm>>) target(%arg10 : memref<128x64xf32, #tpu.memory_space<vmem>>) offsets(%dma_start3A_5 : memref<128xi32, #tpu.memory_space<vmem>>) semaphore(%arg14 : memref<!tpu.dma_semaphore, #tpu.memory_space<semaphore_mem>>)
    %scan3A = arith.constant 0 : i32
    %scan3A_9 = arith.constant 0 : i32
    %scan3A_10 = arith.constant 24 : i32
    %scan3A_11 = arith.addi %scan3A_9, %scan3A_10 : i32
    %scan3A_12 = arith.constant 1 : i32
    %scan3A_13 = scf.for %scan3A_146 = %scan3A_9 to %scan3A_11 step %scan3A_12 iter_args(%scan3A_147 = %scan3A) -> (i32)  : i32 {
      %mul3A_148 = arith.constant 2 : i32
      %mul3A_149 = arith.muli %mul3A_148, %scan3A_146 : i32
      %add3A_150 = arith.constant 1 : i32
      %add3A_151 = arith.addi %mul3A_149, %add3A_150 : i32
      %dma_start3A_152 = arith.constant 0 : i32
      %dma_start3A_153 = tpu.memref_slice %arg9[%add3A_151, %dma_start3A_152] : memref<50x128xi32, #tpu.memory_space<vmem>> -> memref<1x128xi32, #tpu.memory_space<vmem>>
      %dma_start3A_154 = tpu.memref_squeeze %dma_start3A_153 : memref<1x128xi32, #tpu.memory_space<vmem>> -> memref<128xi32, #tpu.memory_space<vmem>>
      %dma_start3A_155 = arith.constant 0 : i32
      %dma_start3A_156 = arith.constant 0 : i32
      %dma_start3A_157 = tpu.memref_slice %arg4[%dma_start3A_155, %dma_start3A_156] : memref<1000000x64xf32, #tpu.memory_space<hbm>> -> memref<1000000x64xf32, #tpu.memory_space<hbm>>
      tpu.enqueue_indirect_dma source(%dma_start3A_157 : memref<1000000x64xf32, #tpu.memory_space<hbm>>) target(%arg11 : memref<128x64xf32, #tpu.memory_space<vmem>>) offsets(%dma_start3A_154 : memref<128xi32, #tpu.memory_space<vmem>>) semaphore(%arg15 : memref<!tpu.dma_semaphore, #tpu.memory_space<semaphore_mem>>)
      %mul3A_158 = arith.constant 2 : i32
      %mul3A_159 = arith.muli %mul3A_158, %scan3A_146 : i32
      %dma_wait3A_160 = arith.constant 0 : i32
      %dma_wait3A_161 = tpu.memref_slice %arg9[%mul3A_159, %dma_wait3A_160] : memref<50x128xi32, #tpu.memory_space<vmem>> -> memref<1x128xi32, #tpu.memory_space<vmem>>
      %dma_wait3A_162 = tpu.memref_squeeze %dma_wait3A_161 : memref<1x128xi32, #tpu.memory_space<vmem>> -> memref<128xi32, #tpu.memory_space<vmem>>
      %dma_wait3A_163 = arith.constant 0 : i32
      %dma_wait3A_164 = arith.constant 0 : i32
      %dma_wait3A_165 = tpu.memref_slice %arg4[%dma_wait3A_163, %dma_wait3A_164] : memref<1000000x64xf32, #tpu.memory_space<hbm>> -> memref<1000000x64xf32, #tpu.memory_space<hbm>>
      tpu.wait_indirect_dma semaphore(%arg14 : memref<!tpu.dma_semaphore, #tpu.memory_space<semaphore_mem>>) src(%dma_wait3A_165 : memref<1000000x64xf32, #tpu.memory_space<hbm>>) dst(%arg10 : memref<128x64xf32, #tpu.memory_space<vmem>>)
      %mul3A_166 = arith.constant 64 : i32
      %mul3A_167 = arith.muli %mul3A_166, %mul3A_159 : i32
      %add3A_168 = arith.constant 0 : i32
      %add3A_169 = arith.addi %mul3A_167, %add3A_168 : i32
      %get3A_170 = arith.index_cast %add3A_169 : i32 to index
      %get3A_171 = tpu.vector_load %arg12[%get3A_170] {strides = array<i32>} : memref<3200xf32, #tpu.memory_space<vmem>>, vector<16xf32>,
      %get3A_172 = vector.shape_cast %get3A_171 : vector<16xf32> to vector<16xf32>
      %mul3A_173 = arith.constant 64 : i32
      %mul3A_174 = arith.muli %mul3A_173, %mul3A_159 : i32
      %add3A_175 = arith.constant 16 : i32
      %add3A_176 = arith.addi %mul3A_174, %add3A_175 : i32
      %get3A_177 = arith.index_cast %add3A_176 : i32 to index
      %get3A_178 = tpu.vector_load %arg12[%get3A_177] {strides = array<i32>} : memref<3200xf32, #tpu.memory_space<vmem>>, vector<16xf32>,
      %get3A_179 = vector.shape_cast %get3A_178 : vector<16xf32> to vector<16xf32>
      %mul3A_180 = arith.constant 64 : i32
      %mul3A_181 = arith.muli %mul3A_180, %mul3A_159 : i32
      %add3A_182 = arith.constant 32 : i32
      %add3A_183 = arith.addi %mul3A_181, %add3A_182 : i32
      %get3A_184 = arith.index_cast %add3A_183 : i32 to index
      %get3A_185 = tpu.vector_load %arg12[%get3A_184] {strides = array<i32>} : memref<3200xf32, #tpu.memory_space<vmem>>, vector<16xf32>,
      %get3A_186 = vector.shape_cast %get3A_185 : vector<16xf32> to vector<16xf32>
      %mul3A_187 = arith.constant 64 : i32
      %mul3A_188 = arith.muli %mul3A_187, %mul3A_159 : i32
      %add3A_189 = arith.constant 48 : i32
      %add3A_190 = arith.addi %mul3A_188, %add3A_189 : i32
      %get3A_191 = arith.index_cast %add3A_190 : i32 to index
      %get3A_192 = tpu.vector_load %arg12[%get3A_191] {strides = array<i32>} : memref<3200xf32, #tpu.memory_space<vmem>>, vector<16xf32>,
      %get3A_193 = vector.shape_cast %get3A_192 : vector<16xf32> to vector<16xf32>
      %parallel_loop3A_194 = arith.constant 0 : i32
      %parallel_loop3A_195 = arith.constant 128 : i32
      %parallel_loop3A_196 = arith.constant 1 : i32
      scf.for %parallel_loop3A_263 = %parallel_loop3A_194 to %parallel_loop3A_195 step %parallel_loop3A_196  : i32 {
        %parallel_loop3A_264 = arith.index_cast %parallel_loop3A_263 : i32 to index
        %parallel_loop3A_265 = arith.constant 0 : index
        %parallel_loop3A_266 = tpu.vector_load %arg10[%parallel_loop3A_264, %parallel_loop3A_265] {strides = array<i32>} : memref<128x64xf32, #tpu.memory_space<vmem>>, vector<1x16xf32>,
        %parallel_loop3A_267 = vector.shape_cast %parallel_loop3A_266 : vector<1x16xf32> to vector<16xf32>
        %parallel_loop3A_268 = arith.addf %parallel_loop3A_267, %get3A_172 : vector<16xf32>
        %parallel_loop3A_269 = arith.index_cast %parallel_loop3A_263 : i32 to index
        %parallel_loop3A_270 = arith.constant 0 : index
        %parallel_loop3A_271 = tpu.vector_load %arg10[%parallel_loop3A_269, %parallel_loop3A_270] {strides = array<i32>} : memref<128x64xf32, #tpu.memory_space<vmem>>, vector<1x16xf32>,
        %parallel_loop3A_272 = vector.shape_cast %parallel_loop3A_271 : vector<1x16xf32> to vector<16xf32>
        %parallel_loop3A_273 = vector.shape_cast %parallel_loop3A_268 : vector<16xf32> to vector<1x16xf32>
        tpu.vector_store %arg10[%parallel_loop3A_269, %parallel_loop3A_270], %parallel_loop3A_273 {strides = array<i32>} : memref<128x64xf32, #tpu.memory_space<vmem>>, vector<1x16xf32>,
        %parallel_loop3A_274 = arith.index_cast %parallel_loop3A_263 : i32 to index
        %parallel_loop3A_275 = arith.constant 16 : index
        %parallel_loop3A_276 = tpu.vector_load %arg10[%parallel_loop3A_274, %parallel_loop3A_275] {strides = array<i32>} : memref<128x64xf32, #tpu.memory_space<vmem>>, vector<1x16xf32>,
        %parallel_loop3A_277 = vector.shape_cast %parallel_loop3A_276 : vector<1x16xf32> to vector<16xf32>
        %parallel_loop3A_278 = arith.addf %parallel_loop3A_277, %get3A_179 : vector<16xf32>
        %parallel_loop3A_279 = arith.index_cast %parallel_loop3A_263 : i32 to index
        %parallel_loop3A_280 = arith.constant 16 : index
        %parallel_loop3A_281 = tpu.vector_load %arg10[%parallel_loop3A_279, %parallel_loop3A_280] {strides = array<i32>} : memref<128x64xf32, #tpu.memory_space<vmem>>, vector<1x16xf32>,
        %parallel_loop3A_282 = vector.shape_cast %parallel_loop3A_281 : vector<1x16xf32> to vector<16xf32>
        %parallel_loop3A_283 = vector.shape_cast %parallel_loop3A_278 : vector<16xf32> to vector<1x16xf32>
        tpu.vector_store %arg10[%parallel_loop3A_279, %parallel_loop3A_280], %parallel_loop3A_283 {strides = array<i32>} : memref<128x64xf32, #tpu.memory_space<vmem>>, vector<1x16xf32>,
        %parallel_loop3A_284 = arith.index_cast %parallel_loop3A_263 : i32 to index
        %parallel_loop3A_285 = arith.constant 32 : index
        %parallel_loop3A_286 = tpu.vector_load %arg10[%parallel_loop3A_284, %parallel_loop3A_285] {strides = array<i32>} : memref<128x64xf32, #tpu.memory_space<vmem>>, vector<1x16xf32>,
        %parallel_loop3A_287 = vector.shape_cast %parallel_loop3A_286 : vector<1x16xf32> to vector<16xf32>
        %parallel_loop3A_288 = arith.addf %parallel_loop3A_287, %get3A_186 : vector<16xf32>
        %parallel_loop3A_289 = arith.index_cast %parallel_loop3A_263 : i32 to index
        %parallel_loop3A_290 = arith.constant 32 : index
        %parallel_loop3A_291 = tpu.vector_load %arg10[%parallel_loop3A_289, %parallel_loop3A_290] {strides = array<i32>} : memref<128x64xf32, #tpu.memory_space<vmem>>, vector<1x16xf32>,
        %parallel_loop3A_292 = vector.shape_cast %parallel_loop3A_291 : vector<1x16xf32> to vector<16xf32>
        %parallel_loop3A_293 = vector.shape_cast %parallel_loop3A_288 : vector<16xf32> to vector<1x16xf32>
        tpu.vector_store %arg10[%parallel_loop3A_289, %parallel_loop3A_290], %parallel_loop3A_293 {strides = array<i32>} : memref<128x64xf32, #tpu.memory_space<vmem>>, vector<1x16xf32>,
        %parallel_loop3A_294 = arith.index_cast %parallel_loop3A_263 : i32 to index
        %parallel_loop3A_295 = arith.constant 48 : index
        %parallel_loop3A_296 = tpu.vector_load %arg10[%parallel_loop3A_294, %parallel_loop3A_295] {strides = array<i32>} : memref<128x64xf32, #tpu.memory_space<vmem>>, vector<1x16xf32>,
        %parallel_loop3A_297 = vector.shape_cast %parallel_loop3A_296 : vector<1x16xf32> to vector<16xf32>
        %parallel_loop3A_298 = arith.addf %parallel_loop3A_297, %get3A_193 : vector<16xf32>
        %parallel_loop3A_299 = arith.index_cast %parallel_loop3A_263 : i32 to index
        %parallel_loop3A_300 = arith.constant 48 : index
        %parallel_loop3A_301 = tpu.vector_load %arg10[%parallel_loop3A_299, %parallel_loop3A_300] {strides = array<i32>} : memref<128x64xf32, #tpu.memory_space<vmem>>, vector<1x16xf32>,
        %parallel_loop3A_302 = vector.shape_cast %parallel_loop3A_301 : vector<1x16xf32> to vector<16xf32>
        %parallel_loop3A_303 = vector.shape_cast %parallel_loop3A_298 : vector<16xf32> to vector<1x16xf32>
        tpu.vector_store %arg10[%parallel_loop3A_299, %parallel_loop3A_300], %parallel_loop3A_303 {strides = array<i32>} : memref<128x64xf32, #tpu.memory_space<vmem>>, vector<1x16xf32>,
      } {sc.loop_unroll_factor = 8 : i64, sc.parallel_access}
      %mul3A_197 = arith.constant 4096 : i32
      %mul3A_198 = arith.muli %mul3A_159, %mul3A_197 : i32
      %add3A_199 = arith.constant 0 : i32
      %add3A_200 = arith.addi %add3A_199, %mul3A_198 : i32
      %mul3A_201 = arith.constant 128 : i32
      %mul3A_202 = arith.muli %add3A, %mul3A_201 : i32
      %add3A_203 = arith.addi %add3A_200, %mul3A_202 : i32
      "tpu.region"() ({
        %run_scoped3A = tpu.sem_alloc : memref<!tpu.dma_semaphore, #tpu.memory_space<semaphore_mem>>
        %dma_start3A_263 = arith.constant 0 : i32
        %dma_start3A_264 = tpu.memref_slice %arg8[%add3A_203, %dma_start3A_263] : memref<409600x64xf32, #tpu.memory_space<hbm>> -> memref<128x64xf32, #tpu.memory_space<hbm>>
        %dma_start3A_265 = arith.constant 0 : i32
        %dma_start3A_266 = tpu.memref_slice %arg8[%add3A_203, %dma_start3A_265] : memref<409600x64xf32, #tpu.memory_space<hbm>> -> memref<128x64xf32, #tpu.memory_space<hbm>>
        tpu.enqueue_dma source(%arg10 : memref<128x64xf32, #tpu.memory_space<vmem>>) target(%dma_start3A_266 : memref<128x64xf32, #tpu.memory_space<hbm>>) target_semaphore(%run_scoped3A : memref<!tpu.dma_semaphore, #tpu.memory_space<semaphore_mem>>)
        %dma_wait3A_267 = arith.constant 0 : i32
        %dma_wait3A_268 = tpu.memref_slice %arg8[%add3A_203, %dma_wait3A_267] : memref<409600x64xf32, #tpu.memory_space<hbm>> -> memref<128x64xf32, #tpu.memory_space<hbm>>
        %dma_wait3A_269 = arith.constant 0 : i32
        %dma_wait3A_270 = tpu.memref_slice %arg8[%add3A_203, %dma_wait3A_269] : memref<409600x64xf32, #tpu.memory_space<hbm>> -> memref<128x64xf32, #tpu.memory_space<hbm>>
        tpu.wait_dma2 semaphore(%run_scoped3A : memref<!tpu.dma_semaphore, #tpu.memory_space<semaphore_mem>>) src(%arg10 : memref<128x64xf32, #tpu.memory_space<vmem>>) dst(%dma_wait3A_270 : memref<128x64xf32, #tpu.memory_space<hbm>>)
        tpu.yield
      }) : () -> ()
      %mul3A_204 = arith.constant 2 : i32
      %mul3A_205 = arith.muli %mul3A_204, %scan3A_146 : i32
      %add3A_206 = arith.constant 2 : i32
      %add3A_207 = arith.addi %mul3A_205, %add3A_206 : i32
      %dma_start3A_208 = arith.constant 0 : i32
      %dma_start3A_209 = tpu.memref_slice %arg9[%add3A_207, %dma_start3A_208] : memref<50x128xi32, #tpu.memory_space<vmem>> -> memref<1x128xi32, #tpu.memory_space<vmem>>
      %dma_start3A_210 = tpu.memref_squeeze %dma_start3A_209 : memref<1x128xi32, #tpu.memory_space<vmem>> -> memref<128xi32, #tpu.memory_space<vmem>>
      %dma_start3A_211 = arith.constant 0 : i32
      %dma_start3A_212 = arith.constant 0 : i32
      %dma_start3A_213 = tpu.memref_slice %arg4[%dma_start3A_211, %dma_start3A_212] : memref<1000000x64xf32, #tpu.memory_space<hbm>> -> memref<1000000x64xf32, #tpu.memory_space<hbm>>
      tpu.enqueue_indirect_dma source(%dma_start3A_213 : memref<1000000x64xf32, #tpu.memory_space<hbm>>) target(%arg10 : memref<128x64xf32, #tpu.memory_space<vmem>>) offsets(%dma_start3A_210 : memref<128xi32, #tpu.memory_space<vmem>>) semaphore(%arg14 : memref<!tpu.dma_semaphore, #tpu.memory_space<semaphore_mem>>)
      %mul3A_214 = arith.constant 2 : i32
      %mul3A_215 = arith.muli %mul3A_214, %scan3A_146 : i32
      %add3A_216 = arith.constant 1 : i32
      %add3A_217 = arith.addi %mul3A_215, %add3A_216 : i32
      %dma_wait3A_218 = arith.constant 0 : i32
      %dma_wait3A_219 = tpu.memref_slice %arg9[%add3A_217, %dma_wait3A_218] : memref<50x128xi32, #tpu.memory_space<vmem>> -> memref<1x128xi32, #tpu.memory_space<vmem>>
      %dma_wait3A_220 = tpu.memref_squeeze %dma_wait3A_219 : memref<1x128xi32, #tpu.memory_space<vmem>> -> memref<128xi32, #tpu.memory_space<vmem>>
      %dma_wait3A_221 = arith.constant 0 : i32
      %dma_wait3A_222 = arith.constant 0 : i32
      %dma_wait3A_223 = tpu.memref_slice %arg4[%dma_wait3A_221, %dma_wait3A_222] : memref<1000000x64xf32, #tpu.memory_space<hbm>> -> memref<1000000x64xf32, #tpu.memory_space<hbm>>
      tpu.wait_indirect_dma semaphore(%arg15 : memref<!tpu.dma_semaphore, #tpu.memory_space<semaphore_mem>>) src(%dma_wait3A_223 : memref<1000000x64xf32, #tpu.memory_space<hbm>>) dst(%arg11 : memref<128x64xf32, #tpu.memory_space<vmem>>)
      %mul3A_224 = arith.constant 64 : i32
      %mul3A_225 = arith.muli %mul3A_224, %add3A_217 : i32
      %add3A_226 = arith.constant 0 : i32
      %add3A_227 = arith.addi %mul3A_225, %add3A_226 : i32
      %get3A_228 = arith.index_cast %add3A_227 : i32 to index
      %get3A_229 = tpu.vector_load %arg12[%get3A_228] {strides = array<i32>} : memref<3200xf32, #tpu.memory_space<vmem>>, vector<16xf32>,
      %get3A_230 = vector.shape_cast %get3A_229 : vector<16xf32> to vector<16xf32>
      %mul3A_231 = arith.constant 64 : i32
      %mul3A_232 = arith.muli %mul3A_231, %add3A_217 : i32
      %add3A_233 = arith.constant 16 : i32
      %add3A_234 = arith.addi %mul3A_232, %add3A_233 : i32
      %get3A_235 = arith.index_cast %add3A_234 : i32 to index
      %get3A_236 = tpu.vector_load %arg12[%get3A_235] {strides = array<i32>} : memref<3200xf32, #tpu.memory_space<vmem>>, vector<16xf32>,
      %get3A_237 = vector.shape_cast %get3A_236 : vector<16xf32> to vector<16xf32>
      %mul3A_238 = arith.constant 64 : i32
      %mul3A_239 = arith.muli %mul3A_238, %add3A_217 : i32
      %add3A_240 = arith.constant 32 : i32
      %add3A_241 = arith.addi %mul3A_239, %add3A_240 : i32
      %get3A_242 = arith.index_cast %add3A_241 : i32 to index
      %get3A_243 = tpu.vector_load %arg12[%get3A_242] {strides = array<i32>} : memref<3200xf32, #tpu.memory_space<vmem>>, vector<16xf32>,
      %get3A_244 = vector.shape_cast %get3A_243 : vector<16xf32> to vector<16xf32>
      %mul3A_245 = arith.constant 64 : i32
      %mul3A_246 = arith.muli %mul3A_245, %add3A_217 : i32
      %add3A_247 = arith.constant 48 : i32
      %add3A_248 = arith.addi %mul3A_246, %add3A_247 : i32
      %get3A_249 = arith.index_cast %add3A_248 : i32 to index
      %get3A_250 = tpu.vector_load %arg12[%get3A_249] {strides = array<i32>} : memref<3200xf32, #tpu.memory_space<vmem>>, vector<16xf32>,
      %get3A_251 = vector.shape_cast %get3A_250 : vector<16xf32> to vector<16xf32>
      %parallel_loop3A_252 = arith.constant 0 : i32
      %parallel_loop3A_253 = arith.constant 128 : i32
      %parallel_loop3A_254 = arith.constant 1 : i32
      scf.for %parallel_loop3A_263 = %parallel_loop3A_252 to %parallel_loop3A_253 step %parallel_loop3A_254  : i32 {
        %parallel_loop3A_264 = arith.index_cast %parallel_loop3A_263 : i32 to index
        %parallel_loop3A_265 = arith.constant 0 : index
        %parallel_loop3A_266 = tpu.vector_load %arg11[%parallel_loop3A_264, %parallel_loop3A_265] {strides = array<i32>} : memref<128x64xf32, #tpu.memory_space<vmem>>, vector<1x16xf32>,
        %parallel_loop3A_267 = vector.shape_cast %parallel_loop3A_266 : vector<1x16xf32> to vector<16xf32>
        %parallel_loop3A_268 = arith.addf %parallel_loop3A_267, %get3A_230 : vector<16xf32>
        %parallel_loop3A_269 = arith.index_cast %parallel_loop3A_263 : i32 to index
        %parallel_loop3A_270 = arith.constant 0 : index
        %parallel_loop3A_271 = tpu.vector_load %arg11[%parallel_loop3A_269, %parallel_loop3A_270] {strides = array<i32>} : memref<128x64xf32, #tpu.memory_space<vmem>>, vector<1x16xf32>,
        %parallel_loop3A_272 = vector.shape_cast %parallel_loop3A_271 : vector<1x16xf32> to vector<16xf32>
        %parallel_loop3A_273 = vector.shape_cast %parallel_loop3A_268 : vector<16xf32> to vector<1x16xf32>
        tpu.vector_store %arg11[%parallel_loop3A_269, %parallel_loop3A_270], %parallel_loop3A_273 {strides = array<i32>} : memref<128x64xf32, #tpu.memory_space<vmem>>, vector<1x16xf32>,
        %parallel_loop3A_274 = arith.index_cast %parallel_loop3A_263 : i32 to index
        %parallel_loop3A_275 = arith.constant 16 : index
        %parallel_loop3A_276 = tpu.vector_load %arg11[%parallel_loop3A_274, %parallel_loop3A_275] {strides = array<i32>} : memref<128x64xf32, #tpu.memory_space<vmem>>, vector<1x16xf32>,
        %parallel_loop3A_277 = vector.shape_cast %parallel_loop3A_276 : vector<1x16xf32> to vector<16xf32>
        %parallel_loop3A_278 = arith.addf %parallel_loop3A_277, %get3A_237 : vector<16xf32>
        %parallel_loop3A_279 = arith.index_cast %parallel_loop3A_263 : i32 to index
        %parallel_loop3A_280 = arith.constant 16 : index
        %parallel_loop3A_281 = tpu.vector_load %arg11[%parallel_loop3A_279, %parallel_loop3A_280] {strides = array<i32>} : memref<128x64xf32, #tpu.memory_space<vmem>>, vector<1x16xf32>,
        %parallel_loop3A_282 = vector.shape_cast %parallel_loop3A_281 : vector<1x16xf32> to vector<16xf32>
        %parallel_loop3A_283 = vector.shape_cast %parallel_loop3A_278 : vector<16xf32> to vector<1x16xf32>
        tpu.vector_store %arg11[%parallel_loop3A_279, %parallel_loop3A_280], %parallel_loop3A_283 {strides = array<i32>} : memref<128x64xf32, #tpu.memory_space<vmem>>, vector<1x16xf32>,
        %parallel_loop3A_284 = arith.index_cast %parallel_loop3A_263 : i32 to index
        %parallel_loop3A_285 = arith.constant 32 : index
        %parallel_loop3A_286 = tpu.vector_load %arg11[%parallel_loop3A_284, %parallel_loop3A_285] {strides = array<i32>} : memref<128x64xf32, #tpu.memory_space<vmem>>, vector<1x16xf32>,
        %parallel_loop3A_287 = vector.shape_cast %parallel_loop3A_286 : vector<1x16xf32> to vector<16xf32>
        %parallel_loop3A_288 = arith.addf %parallel_loop3A_287, %get3A_244 : vector<16xf32>
        %parallel_loop3A_289 = arith.index_cast %parallel_loop3A_263 : i32 to index
        %parallel_loop3A_290 = arith.constant 32 : index
        %parallel_loop3A_291 = tpu.vector_load %arg11[%parallel_loop3A_289, %parallel_loop3A_290] {strides = array<i32>} : memref<128x64xf32, #tpu.memory_space<vmem>>, vector<1x16xf32>,
        %parallel_loop3A_292 = vector.shape_cast %parallel_loop3A_291 : vector<1x16xf32> to vector<16xf32>
        %parallel_loop3A_293 = vector.shape_cast %parallel_loop3A_288 : vector<16xf32> to vector<1x16xf32>
        tpu.vector_store %arg11[%parallel_loop3A_289, %parallel_loop3A_290], %parallel_loop3A_293 {strides = array<i32>} : memref<128x64xf32, #tpu.memory_space<vmem>>, vector<1x16xf32>,
        %parallel_loop3A_294 = arith.index_cast %parallel_loop3A_263 : i32 to index
        %parallel_loop3A_295 = arith.constant 48 : index
        %parallel_loop3A_296 = tpu.vector_load %arg11[%parallel_loop3A_294, %parallel_loop3A_295] {strides = array<i32>} : memref<128x64xf32, #tpu.memory_space<vmem>>, vector<1x16xf32>,
        %parallel_loop3A_297 = vector.shape_cast %parallel_loop3A_296 : vector<1x16xf32> to vector<16xf32>
        %parallel_loop3A_298 = arith.addf %parallel_loop3A_297, %get3A_251 : vector<16xf32>
        %parallel_loop3A_299 = arith.index_cast %parallel_loop3A_263 : i32 to index
        %parallel_loop3A_300 = arith.constant 48 : index
        %parallel_loop3A_301 = tpu.vector_load %arg11[%parallel_loop3A_299, %parallel_loop3A_300] {strides = array<i32>} : memref<128x64xf32, #tpu.memory_space<vmem>>, vector<1x16xf32>,
        %parallel_loop3A_302 = vector.shape_cast %parallel_loop3A_301 : vector<1x16xf32> to vector<16xf32>
        %parallel_loop3A_303 = vector.shape_cast %parallel_loop3A_298 : vector<16xf32> to vector<1x16xf32>
        tpu.vector_store %arg11[%parallel_loop3A_299, %parallel_loop3A_300], %parallel_loop3A_303 {strides = array<i32>} : memref<128x64xf32, #tpu.memory_space<vmem>>, vector<1x16xf32>,
      } {sc.loop_unroll_factor = 8 : i64, sc.parallel_access}
      %mul3A_255 = arith.constant 4096 : i32
      %mul3A_256 = arith.muli %add3A_217, %mul3A_255 : i32
      %add3A_257 = arith.constant 0 : i32
      %add3A_258 = arith.addi %add3A_257, %mul3A_256 : i32
      %mul3A_259 = arith.constant 128 : i32
      %mul3A_260 = arith.muli %add3A, %mul3A_259 : i32
      %add3A_261 = arith.addi %add3A_258, %mul3A_260 : i32
      "tpu.region"() ({
        %run_scoped3A = tpu.sem_alloc : memref<!tpu.dma_semaphore, #tpu.memory_space<semaphore_mem>>
        %dma_start3A_263 = arith.constant 0 : i32
        %dma_start3A_264 = tpu.memref_slice %arg8[%add3A_261, %dma_start3A_263] : memref<409600x64xf32, #tpu.memory_space<hbm>> -> memref<128x64xf32, #tpu.memory_space<hbm>>
        %dma_start3A_265 = arith.constant 0 : i32
        %dma_start3A_266 = tpu.memref_slice %arg8[%add3A_261, %dma_start3A_265] : memref<409600x64xf32, #tpu.memory_space<hbm>> -> memref<128x64xf32, #tpu.memory_space<hbm>>
        tpu.enqueue_dma source(%arg11 : memref<128x64xf32, #tpu.memory_space<vmem>>) target(%dma_start3A_266 : memref<128x64xf32, #tpu.memory_space<hbm>>) target_semaphore(%run_scoped3A : memref<!tpu.dma_semaphore, #tpu.memory_space<semaphore_mem>>)
        %dma_wait3A_267 = arith.constant 0 : i32
        %dma_wait3A_268 = tpu.memref_slice %arg8[%add3A_261, %dma_wait3A_267] : memref<409600x64xf32, #tpu.memory_space<hbm>> -> memref<128x64xf32, #tpu.memory_space<hbm>>
        %dma_wait3A_269 = arith.constant 0 : i32
        %dma_wait3A_270 = tpu.memref_slice %arg8[%add3A_261, %dma_wait3A_269] : memref<409600x64xf32, #tpu.memory_space<hbm>> -> memref<128x64xf32, #tpu.memory_space<hbm>>
        tpu.wait_dma2 semaphore(%run_scoped3A : memref<!tpu.dma_semaphore, #tpu.memory_space<semaphore_mem>>) src(%arg11 : memref<128x64xf32, #tpu.memory_space<vmem>>) dst(%dma_wait3A_270 : memref<128x64xf32, #tpu.memory_space<hbm>>)
        tpu.yield
      }) : () -> ()
      %scan3A_262 = arith.constant 0 : i32
      scf.yield %scan3A_262 : i32
    }
    %scan3A_14 = arith.constant 24 : i32
    %dma_start3A_15 = arith.constant 49 : i32
    %dma_start3A_16 = arith.constant 0 : i32
    %dma_start3A_17 = tpu.memref_slice %arg9[%dma_start3A_15, %dma_start3A_16] : memref<50x128xi32, #tpu.memory_space<vmem>> -> memref<1x128xi32, #tpu.memory_space<vmem>>
    %dma_start3A_18 = tpu.memref_squeeze %dma_start3A_17 : memref<1x128xi32, #tpu.memory_space<vmem>> -> memref<128xi32, #tpu.memory_space<vmem>>
    %dma_start3A_19 = arith.constant 0 : i32
    %dma_start3A_20 = arith.constant 0 : i32
    %dma_start3A_21 = tpu.memref_slice %arg4[%dma_start3A_19, %dma_start3A_20] : memref<1000000x64xf32, #tpu.memory_space<hbm>> -> memref<1000000x64xf32, #tpu.memory_space<hbm>>
    tpu.enqueue_indirect_dma source(%dma_start3A_21 : memref<1000000x64xf32, #tpu.memory_space<hbm>>) target(%arg11 : memref<128x64xf32, #tpu.memory_space<vmem>>) offsets(%dma_start3A_18 : memref<128xi32, #tpu.memory_space<vmem>>) semaphore(%arg15 : memref<!tpu.dma_semaphore, #tpu.memory_space<semaphore_mem>>)
    %dma_wait3A = arith.constant 48 : i32
    %dma_wait3A_22 = arith.constant 0 : i32
    %dma_wait3A_23 = tpu.memref_slice %arg9[%dma_wait3A, %dma_wait3A_22] : memref<50x128xi32, #tpu.memory_space<vmem>> -> memref<1x128xi32, #tpu.memory_space<vmem>>
    %dma_wait3A_24 = tpu.memref_squeeze %dma_wait3A_23 : memref<1x128xi32, #tpu.memory_space<vmem>> -> memref<128xi32, #tpu.memory_space<vmem>>
    %dma_wait3A_25 = arith.constant 0 : i32
    %dma_wait3A_26 = arith.constant 0 : i32
    %dma_wait3A_27 = tpu.memref_slice %arg4[%dma_wait3A_25, %dma_wait3A_26] : memref<1000000x64xf32, #tpu.memory_space<hbm>> -> memref<1000000x64xf32, #tpu.memory_space<hbm>>
    tpu.wait_indirect_dma semaphore(%arg14 : memref<!tpu.dma_semaphore, #tpu.memory_space<semaphore_mem>>) src(%dma_wait3A_27 : memref<1000000x64xf32, #tpu.memory_space<hbm>>) dst(%arg10 : memref<128x64xf32, #tpu.memory_space<vmem>>)
    %get3A = arith.constant 3072 : index
    %get3A_28 = tpu.vector_load %arg12[%get3A] {strides = array<i32>} : memref<3200xf32, #tpu.memory_space<vmem>>, vector<16xf32>,
    %get3A_29 = vector.shape_cast %get3A_28 : vector<16xf32> to vector<16xf32>
    %get3A_30 = arith.constant 3088 : index
    %get3A_31 = tpu.vector_load %arg12[%get3A_30] {strides = array<i32>} : memref<3200xf32, #tpu.memory_space<vmem>>, vector<16xf32>,
    %get3A_32 = vector.shape_cast %get3A_31 : vector<16xf32> to vector<16xf32>
    %get3A_33 = arith.constant 3104 : index
    %get3A_34 = tpu.vector_load %arg12[%get3A_33] {strides = array<i32>} : memref<3200xf32, #tpu.memory_space<vmem>>, vector<16xf32>,
    %get3A_35 = vector.shape_cast %get3A_34 : vector<16xf32> to vector<16xf32>
    %get3A_36 = arith.constant 3120 : index
    %get3A_37 = tpu.vector_load %arg12[%get3A_36] {strides = array<i32>} : memref<3200xf32, #tpu.memory_space<vmem>>, vector<16xf32>,
    %get3A_38 = vector.shape_cast %get3A_37 : vector<16xf32> to vector<16xf32>
    %parallel_loop3A = arith.constant 0 : i32
    %parallel_loop3A_39 = arith.constant 128 : i32
    %parallel_loop3A_40 = arith.constant 1 : i32
    scf.for %parallel_loop3A_146 = %parallel_loop3A to %parallel_loop3A_39 step %parallel_loop3A_40  : i32 {
      %parallel_loop3A_147 = arith.index_cast %parallel_loop3A_146 : i32 to index
      %parallel_loop3A_148 = arith.constant 0 : index
      %parallel_loop3A_149 = tpu.vector_load %arg10[%parallel_loop3A_147, %parallel_loop3A_148] {strides = array<i32>} : memref<128x64xf32, #tpu.memory_space<vmem>>, vector<1x16xf32>,
      %parallel_loop3A_150 = vector.shape_cast %parallel_loop3A_149 : vector<1x16xf32> to vector<16xf32>
      %parallel_loop3A_151 = arith.addf %parallel_loop3A_150, %get3A_29 : vector<16xf32>
      %parallel_loop3A_152 = arith.index_cast %parallel_loop3A_146 : i32 to index
      %parallel_loop3A_153 = arith.constant 0 : index
      %parallel_loop3A_154 = tpu.vector_load %arg10[%parallel_loop3A_152, %parallel_loop3A_153] {strides = array<i32>} : memref<128x64xf32, #tpu.memory_space<vmem>>, vector<1x16xf32>,
      %parallel_loop3A_155 = vector.shape_cast %parallel_loop3A_154 : vector<1x16xf32> to vector<16xf32>
      %parallel_loop3A_156 = vector.shape_cast %parallel_loop3A_151 : vector<16xf32> to vector<1x16xf32>
      tpu.vector_store %arg10[%parallel_loop3A_152, %parallel_loop3A_153], %parallel_loop3A_156 {strides = array<i32>} : memref<128x64xf32, #tpu.memory_space<vmem>>, vector<1x16xf32>,
      %parallel_loop3A_157 = arith.index_cast %parallel_loop3A_146 : i32 to index
      %parallel_loop3A_158 = arith.constant 16 : index
      %parallel_loop3A_159 = tpu.vector_load %arg10[%parallel_loop3A_157, %parallel_loop3A_158] {strides = array<i32>} : memref<128x64xf32, #tpu.memory_space<vmem>>, vector<1x16xf32>,
      %parallel_loop3A_160 = vector.shape_cast %parallel_loop3A_159 : vector<1x16xf32> to vector<16xf32>
      %parallel_loop3A_161 = arith.addf %parallel_loop3A_160, %get3A_32 : vector<16xf32>
      %parallel_loop3A_162 = arith.index_cast %parallel_loop3A_146 : i32 to index
      %parallel_loop3A_163 = arith.constant 16 : index
      %parallel_loop3A_164 = tpu.vector_load %arg10[%parallel_loop3A_162, %parallel_loop3A_163] {strides = array<i32>} : memref<128x64xf32, #tpu.memory_space<vmem>>, vector<1x16xf32>,
      %parallel_loop3A_165 = vector.shape_cast %parallel_loop3A_164 : vector<1x16xf32> to vector<16xf32>
      %parallel_loop3A_166 = vector.shape_cast %parallel_loop3A_161 : vector<16xf32> to vector<1x16xf32>
      tpu.vector_store %arg10[%parallel_loop3A_162, %parallel_loop3A_163], %parallel_loop3A_166 {strides = array<i32>} : memref<128x64xf32, #tpu.memory_space<vmem>>, vector<1x16xf32>,
      %parallel_loop3A_167 = arith.index_cast %parallel_loop3A_146 : i32 to index
      %parallel_loop3A_168 = arith.constant 32 : index
      %parallel_loop3A_169 = tpu.vector_load %arg10[%parallel_loop3A_167, %parallel_loop3A_168] {strides = array<i32>} : memref<128x64xf32, #tpu.memory_space<vmem>>, vector<1x16xf32>,
      %parallel_loop3A_170 = vector.shape_cast %parallel_loop3A_169 : vector<1x16xf32> to vector<16xf32>
      %parallel_loop3A_171 = arith.addf %parallel_loop3A_170, %get3A_35 : vector<16xf32>
      %parallel_loop3A_172 = arith.index_cast %parallel_loop3A_146 : i32 to index
      %parallel_loop3A_173 = arith.constant 32 : index
      %parallel_loop3A_174 = tpu.vector_load %arg10[%parallel_loop3A_172, %parallel_loop3A_173] {strides = array<i32>} : memref<128x64xf32, #tpu.memory_space<vmem>>, vector<1x16xf32>,
      %parallel_loop3A_175 = vector.shape_cast %parallel_loop3A_174 : vector<1x16xf32> to vector<16xf32>
      %parallel_loop3A_176 = vector.shape_cast %parallel_loop3A_171 : vector<16xf32> to vector<1x16xf32>
      tpu.vector_store %arg10[%parallel_loop3A_172, %parallel_loop3A_173], %parallel_loop3A_176 {strides = array<i32>} : memref<128x64xf32, #tpu.memory_space<vmem>>, vector<1x16xf32>,
      %parallel_loop3A_177 = arith.index_cast %parallel_loop3A_146 : i32 to index
      %parallel_loop3A_178 = arith.constant 48 : index
      %parallel_loop3A_179 = tpu.vector_load %arg10[%parallel_loop3A_177, %parallel_loop3A_178] {strides = array<i32>} : memref<128x64xf32, #tpu.memory_space<vmem>>, vector<1x16xf32>,
      %parallel_loop3A_180 = vector.shape_cast %parallel_loop3A_179 : vector<1x16xf32> to vector<16xf32>
      %parallel_loop3A_181 = arith.addf %parallel_loop3A_180, %get3A_38 : vector<16xf32>
      %parallel_loop3A_182 = arith.index_cast %parallel_loop3A_146 : i32 to index
      %parallel_loop3A_183 = arith.constant 48 : index
      %parallel_loop3A_184 = tpu.vector_load %arg10[%parallel_loop3A_182, %parallel_loop3A_183] {strides = array<i32>} : memref<128x64xf32, #tpu.memory_space<vmem>>, vector<1x16xf32>,
      %parallel_loop3A_185 = vector.shape_cast %parallel_loop3A_184 : vector<1x16xf32> to vector<16xf32>
      %parallel_loop3A_186 = vector.shape_cast %parallel_loop3A_181 : vector<16xf32> to vector<1x16xf32>
      tpu.vector_store %arg10[%parallel_loop3A_182, %parallel_loop3A_183], %parallel_loop3A_186 {strides = array<i32>} : memref<128x64xf32, #tpu.memory_space<vmem>>, vector<1x16xf32>,
    } {sc.loop_unroll_factor = 8 : i64, sc.parallel_access}
    %mul3A_41 = arith.constant 128 : i32
    %mul3A_42 = arith.muli %add3A, %mul3A_41 : i32
    %add3A_43 = arith.constant 196608 : i32
    %add3A_44 = arith.addi %add3A_43, %mul3A_42 : i32
    "tpu.region"() ({
      %run_scoped3A = tpu.sem_alloc : memref<!tpu.dma_semaphore, #tpu.memory_space<semaphore_mem>>
      %dma_start3A_146 = arith.constant 0 : i32
      %dma_start3A_147 = tpu.memref_slice %arg8[%add3A_44, %dma_start3A_146] : memref<409600x64xf32, #tpu.memory_space<hbm>> -> memref<128x64xf32, #tpu.memory_space<hbm>>
      %dma_start3A_148 = arith.constant 0 : i32
      %dma_start3A_149 = tpu.memref_slice %arg8[%add3A_44, %dma_start3A_148] : memref<409600x64xf32, #tpu.memory_space<hbm>> -> memref<128x64xf32, #tpu.memory_space<hbm>>
      tpu.enqueue_dma source(%arg10 : memref<128x64xf32, #tpu.memory_space<vmem>>) target(%dma_start3A_149 : memref<128x64xf32, #tpu.memory_space<hbm>>) target_semaphore(%run_scoped3A : memref<!tpu.dma_semaphore, #tpu.memory_space<semaphore_mem>>)
      %dma_wait3A_150 = arith.constant 0 : i32
      %dma_wait3A_151 = tpu.memref_slice %arg8[%add3A_44, %dma_wait3A_150] : memref<409600x64xf32, #tpu.memory_space<hbm>> -> memref<128x64xf32, #tpu.memory_space<hbm>>
      %dma_wait3A_152 = arith.constant 0 : i32
      %dma_wait3A_153 = tpu.memref_slice %arg8[%add3A_44, %dma_wait3A_152] : memref<409600x64xf32, #tpu.memory_space<hbm>> -> memref<128x64xf32, #tpu.memory_space<hbm>>
      tpu.wait_dma2 semaphore(%run_scoped3A : memref<!tpu.dma_semaphore, #tpu.memory_space<semaphore_mem>>) src(%arg10 : memref<128x64xf32, #tpu.memory_space<vmem>>) dst(%dma_wait3A_153 : memref<128x64xf32, #tpu.memory_space<hbm>>)
      tpu.yield
    }) : () -> ()
    %dma_wait3A_45 = arith.constant 49 : i32
    %dma_wait3A_46 = arith.constant 0 : i32
    %dma_wait3A_47 = tpu.memref_slice %arg9[%dma_wait3A_45, %dma_wait3A_46] : memref<50x128xi32, #tpu.memory_space<vmem>> -> memref<1x128xi32, #tpu.memory_space<vmem>>
    %dma_wait3A_48 = tpu.memref_squeeze %dma_wait3A_47 : memref<1x128xi32, #tpu.memory_space<vmem>> -> memref<128xi32, #tpu.memory_space<vmem>>
    %dma_wait3A_49 = arith.constant 0 : i32
    %dma_wait3A_50 = arith.constant 0 : i32
    %dma_wait3A_51 = tpu.memref_slice %arg4[%dma_wait3A_49, %dma_wait3A_50] : memref<1000000x64xf32, #tpu.memory_space<hbm>> -> memref<1000000x64xf32, #tpu.memory_space<hbm>>
    tpu.wait_indirect_dma semaphore(%arg15 : memref<!tpu.dma_semaphore, #tpu.memory_space<semaphore_mem>>) src(%dma_wait3A_51 : memref<1000000x64xf32, #tpu.memory_space<hbm>>) dst(%arg11 : memref<128x64xf32, #tpu.memory_space<vmem>>)
    %get3A_52 = arith.constant 3136 : index
    %get3A_53 = tpu.vector_load %arg12[%get3A_52] {strides = array<i32>} : memref<3200xf32, #tpu.memory_space<vmem>>, vector<16xf32>,
    %get3A_54 = vector.shape_cast %get3A_53 : vector<16xf32> to vector<16xf32>
    %get3A_55 = arith.constant 3152 : index
    %get3A_56 = tpu.vector_load %arg12[%get3A_55] {strides = array<i32>} : memref<3200xf32, #tpu.memory_space<vmem>>, vector<16xf32>,
    %get3A_57 = vector.shape_cast %get3A_56 : vector<16xf32> to vector<16xf32>
    %get3A_58 = arith.constant 3168 : index
    %get3A_59 = tpu.vector_load %arg12[%get3A_58] {strides = array<i32>} : memref<3200xf32, #tpu.memory_space<vmem>>, vector<16xf32>,
    %get3A_60 = vector.shape_cast %get3A_59 : vector<16xf32> to vector<16xf32>
    %get3A_61 = arith.constant 3184 : index
    %get3A_62 = tpu.vector_load %arg12[%get3A_61] {strides = array<i32>} : memref<3200xf32, #tpu.memory_space<vmem>>, vector<16xf32>,
    %get3A_63 = vector.shape_cast %get3A_62 : vector<16xf32> to vector<16xf32>
    %parallel_loop3A_64 = arith.constant 0 : i32
    %parallel_loop3A_65 = arith.constant 128 : i32
    %parallel_loop3A_66 = arith.constant 1 : i32
    scf.for %parallel_loop3A_146 = %parallel_loop3A_64 to %parallel_loop3A_65 step %parallel_loop3A_66  : i32 {
      %parallel_loop3A_147 = arith.index_cast %parallel_loop3A_146 : i32 to index
      %parallel_loop3A_148 = arith.constant 0 : index
      %parallel_loop3A_149 = tpu.vector_load %arg11[%parallel_loop3A_147, %parallel_loop3A_148] {strides = array<i32>} : memref<128x64xf32, #tpu.memory_space<vmem>>, vector<1x16xf32>,
      %parallel_loop3A_150 = vector.shape_cast %parallel_loop3A_149 : vector<1x16xf32> to vector<16xf32>
      %parallel_loop3A_151 = arith.addf %parallel_loop3A_150, %get3A_54 : vector<16xf32>
      %parallel_loop3A_152 = arith.index_cast %parallel_loop3A_146 : i32 to index
      %parallel_loop3A_153 = arith.constant 0 : index
      %parallel_loop3A_154 = tpu.vector_load %arg11[%parallel_loop3A_152, %parallel_loop3A_153] {strides = array<i32>} : memref<128x64xf32, #tpu.memory_space<vmem>>, vector<1x16xf32>,
      %parallel_loop3A_155 = vector.shape_cast %parallel_loop3A_154 : vector<1x16xf32> to vector<16xf32>
      %parallel_loop3A_156 = vector.shape_cast %parallel_loop3A_151 : vector<16xf32> to vector<1x16xf32>
      tpu.vector_store %arg11[%parallel_loop3A_152, %parallel_loop3A_153], %parallel_loop3A_156 {strides = array<i32>} : memref<128x64xf32, #tpu.memory_space<vmem>>, vector<1x16xf32>,
      %parallel_loop3A_157 = arith.index_cast %parallel_loop3A_146 : i32 to index
      %parallel_loop3A_158 = arith.constant 16 : index
      %parallel_loop3A_159 = tpu.vector_load %arg11[%parallel_loop3A_157, %parallel_loop3A_158] {strides = array<i32>} : memref<128x64xf32, #tpu.memory_space<vmem>>, vector<1x16xf32>,
      %parallel_loop3A_160 = vector.shape_cast %parallel_loop3A_159 : vector<1x16xf32> to vector<16xf32>
      %parallel_loop3A_161 = arith.addf %parallel_loop3A_160, %get3A_57 : vector<16xf32>
      %parallel_loop3A_162 = arith.index_cast %parallel_loop3A_146 : i32 to index
      %parallel_loop3A_163 = arith.constant 16 : index
      %parallel_loop3A_164 = tpu.vector_load %arg11[%parallel_loop3A_162, %parallel_loop3A_163] {strides = array<i32>} : memref<128x64xf32, #tpu.memory_space<vmem>>, vector<1x16xf32>,
      %parallel_loop3A_165 = vector.shape_cast %parallel_loop3A_164 : vector<1x16xf32> to vector<16xf32>
      %parallel_loop3A_166 = vector.shape_cast %parallel_loop3A_161 : vector<16xf32> to vector<1x16xf32>
      tpu.vector_store %arg11[%parallel_loop3A_162, %parallel_loop3A_163], %parallel_loop3A_166 {strides = array<i32>} : memref<128x64xf32, #tpu.memory_space<vmem>>, vector<1x16xf32>,
      %parallel_loop3A_167 = arith.index_cast %parallel_loop3A_146 : i32 to index
      %parallel_loop3A_168 = arith.constant 32 : index
      %parallel_loop3A_169 = tpu.vector_load %arg11[%parallel_loop3A_167, %parallel_loop3A_168] {strides = array<i32>} : memref<128x64xf32, #tpu.memory_space<vmem>>, vector<1x16xf32>,
      %parallel_loop3A_170 = vector.shape_cast %parallel_loop3A_169 : vector<1x16xf32> to vector<16xf32>
      %parallel_loop3A_171 = arith.addf %parallel_loop3A_170, %get3A_60 : vector<16xf32>
      %parallel_loop3A_172 = arith.index_cast %parallel_loop3A_146 : i32 to index
      %parallel_loop3A_173 = arith.constant 32 : index
      %parallel_loop3A_174 = tpu.vector_load %arg11[%parallel_loop3A_172, %parallel_loop3A_173] {strides = array<i32>} : memref<128x64xf32, #tpu.memory_space<vmem>>, vector<1x16xf32>,
      %parallel_loop3A_175 = vector.shape_cast %parallel_loop3A_174 : vector<1x16xf32> to vector<16xf32>
      %parallel_loop3A_176 = vector.shape_cast %parallel_loop3A_171 : vector<16xf32> to vector<1x16xf32>
      tpu.vector_store %arg11[%parallel_loop3A_172, %parallel_loop3A_173], %parallel_loop3A_176 {strides = array<i32>} : memref<128x64xf32, #tpu.memory_space<vmem>>, vector<1x16xf32>,
      %parallel_loop3A_177 = arith.index_cast %parallel_loop3A_146 : i32 to index
      %parallel_loop3A_178 = arith.constant 48 : index
      %parallel_loop3A_179 = tpu.vector_load %arg11[%parallel_loop3A_177, %parallel_loop3A_178] {strides = array<i32>} : memref<128x64xf32, #tpu.memory_space<vmem>>, vector<1x16xf32>,
      %parallel_loop3A_180 = vector.shape_cast %parallel_loop3A_179 : vector<1x16xf32> to vector<16xf32>
      %parallel_loop3A_181 = arith.addf %parallel_loop3A_180, %get3A_63 : vector<16xf32>
      %parallel_loop3A_182 = arith.index_cast %parallel_loop3A_146 : i32 to index
      %parallel_loop3A_183 = arith.constant 48 : index
      %parallel_loop3A_184 = tpu.vector_load %arg11[%parallel_loop3A_182, %parallel_loop3A_183] {strides = array<i32>} : memref<128x64xf32, #tpu.memory_space<vmem>>, vector<1x16xf32>,
      %parallel_loop3A_185 = vector.shape_cast %parallel_loop3A_184 : vector<1x16xf32> to vector<16xf32>
      %parallel_loop3A_186 = vector.shape_cast %parallel_loop3A_181 : vector<16xf32> to vector<1x16xf32>
      tpu.vector_store %arg11[%parallel_loop3A_182, %parallel_loop3A_183], %parallel_loop3A_186 {strides = array<i32>} : memref<128x64xf32, #tpu.memory_space<vmem>>, vector<1x16xf32>,
    } {sc.loop_unroll_factor = 8 : i64, sc.parallel_access}
    %mul3A_67 = arith.constant 128 : i32
    %mul3A_68 = arith.muli %add3A, %mul3A_67 : i32
    %add3A_69 = arith.constant 200704 : i32
    %add3A_70 = arith.addi %add3A_69, %mul3A_68 : i32
    "tpu.region"() ({
      %run_scoped3A = tpu.sem_alloc : memref<!tpu.dma_semaphore, #tpu.memory_space<semaphore_mem>>
      %dma_start3A_146 = arith.constant 0 : i32
      %dma_start3A_147 = tpu.memref_slice %arg8[%add3A_70, %dma_start3A_146] : memref<409600x64xf32, #tpu.memory_space<hbm>> -> memref<128x64xf32, #tpu.memory_space<hbm>>
      %dma_start3A_148 = arith.constant 0 : i32
      %dma_start3A_149 = tpu.memref_slice %arg8[%add3A_70, %dma_start3A_148] : memref<409600x64xf32, #tpu.memory_space<hbm>> -> memref<128x64xf32, #tpu.memory_space<hbm>>
      tpu.enqueue_dma source(%arg11 : memref<128x64xf32, #tpu.memory_space<vmem>>) target(%dma_start3A_149 : memref<128x64xf32, #tpu.memory_space<hbm>>) target_semaphore(%run_scoped3A : memref<!tpu.dma_semaphore, #tpu.memory_space<semaphore_mem>>)
      %dma_wait3A_150 = arith.constant 0 : i32
      %dma_wait3A_151 = tpu.memref_slice %arg8[%add3A_70, %dma_wait3A_150] : memref<409600x64xf32, #tpu.memory_space<hbm>> -> memref<128x64xf32, #tpu.memory_space<hbm>>
      %dma_wait3A_152 = arith.constant 0 : i32
      %dma_wait3A_153 = tpu.memref_slice %arg8[%add3A_70, %dma_wait3A_152] : memref<409600x64xf32, #tpu.memory_space<hbm>> -> memref<128x64xf32, #tpu.memory_space<hbm>>
      tpu.wait_dma2 semaphore(%run_scoped3A : memref<!tpu.dma_semaphore, #tpu.memory_space<semaphore_mem>>) src(%arg11 : memref<128x64xf32, #tpu.memory_space<vmem>>) dst(%dma_wait3A_153 : memref<128x64xf32, #tpu.memory_space<hbm>>)
      tpu.yield
    }) : () -> ()
    %mul3A_71 = arith.constant 128 : i32
    %mul3A_72 = arith.muli %add3A, %mul3A_71 : i32
    "tpu.region"() ({
      %run_scoped3A = tpu.sem_alloc : memref<!tpu.dma_semaphore, #tpu.memory_space<semaphore_mem>>
      %dma_start3A_146 = arith.constant 0 : i32
      %dma_start3A_147 = tpu.memref_slice %arg3[%dma_start3A_146, %mul3A_72] : memref<50x4096xi32, #tpu.memory_space<hbm>> -> memref<50x128xi32, #tpu.memory_space<hbm>>
      %dma_start3A_148 = arith.constant 0 : i32
      %dma_start3A_149 = tpu.memref_slice %arg3[%dma_start3A_148, %mul3A_72] : memref<50x4096xi32, #tpu.memory_space<hbm>> -> memref<50x128xi32, #tpu.memory_space<hbm>>
      tpu.enqueue_dma source(%dma_start3A_149 : memref<50x128xi32, #tpu.memory_space<hbm>>) target(%arg9 : memref<50x128xi32, #tpu.memory_space<vmem>>) target_semaphore(%run_scoped3A : memref<!tpu.dma_semaphore, #tpu.memory_space<semaphore_mem>>)
      %dma_wait3A_150 = arith.constant 0 : i32
      %dma_wait3A_151 = tpu.memref_slice %arg3[%dma_wait3A_150, %mul3A_72] : memref<50x4096xi32, #tpu.memory_space<hbm>> -> memref<50x128xi32, #tpu.memory_space<hbm>>
      %dma_wait3A_152 = arith.constant 0 : i32
      %dma_wait3A_153 = tpu.memref_slice %arg3[%dma_wait3A_152, %mul3A_72] : memref<50x4096xi32, #tpu.memory_space<hbm>> -> memref<50x128xi32, #tpu.memory_space<hbm>>
      tpu.wait_dma2 semaphore(%run_scoped3A : memref<!tpu.dma_semaphore, #tpu.memory_space<semaphore_mem>>) src(%dma_wait3A_153 : memref<50x128xi32, #tpu.memory_space<hbm>>) dst(%arg9 : memref<50x128xi32, #tpu.memory_space<vmem>>)
      tpu.yield
    }) : () -> ()
    %dma_start3A_73 = arith.constant 0 : i32
    %dma_start3A_74 = arith.constant 0 : i32
    %dma_start3A_75 = tpu.memref_slice %arg9[%dma_start3A_73, %dma_start3A_74] : memref<50x128xi32, #tpu.memory_space<vmem>> -> memref<1x128xi32, #tpu.memory_space<vmem>>
    %dma_start3A_76 = tpu.memref_squeeze %dma_start3A_75 : memref<1x128xi32, #tpu.memory_space<vmem>> -> memref<128xi32, #tpu.memory_space<vmem>>
    %dma_start3A_77 = arith.constant 0 : i32
    %dma_start3A_78 = arith.constant 0 : i32
    %dma_start3A_79 = tpu.memref_slice %arg5[%dma_start3A_77, %dma_start3A_78] : memref<100000x64xf32, #tpu.memory_space<hbm>> -> memref<100000x64xf32, #tpu.memory_space<hbm>>
    tpu.enqueue_indirect_dma source(%dma_start3A_79 : memref<100000x64xf32, #tpu.memory_space<hbm>>) target(%arg10 : memref<128x64xf32, #tpu.memory_space<vmem>>) offsets(%dma_start3A_76 : memref<128xi32, #tpu.memory_space<vmem>>) semaphore(%arg14 : memref<!tpu.dma_semaphore, #tpu.memory_space<semaphore_mem>>)
    %scan3A_80 = arith.constant 0 : i32
    %scan3A_81 = arith.constant 0 : i32
    %scan3A_82 = arith.constant 24 : i32
    %scan3A_83 = arith.addi %scan3A_81, %scan3A_82 : i32
    %scan3A_84 = arith.constant 1 : i32
    %scan3A_85 = scf.for %scan3A_146 = %scan3A_81 to %scan3A_83 step %scan3A_84 iter_args(%scan3A_147 = %scan3A_80) -> (i32)  : i32 {
      %mul3A_148 = arith.constant 2 : i32
      %mul3A_149 = arith.muli %mul3A_148, %scan3A_146 : i32
      %add3A_150 = arith.constant 1 : i32
      %add3A_151 = arith.addi %mul3A_149, %add3A_150 : i32
      %dma_start3A_152 = arith.constant 0 : i32
      %dma_start3A_153 = tpu.memref_slice %arg9[%add3A_151, %dma_start3A_152] : memref<50x128xi32, #tpu.memory_space<vmem>> -> memref<1x128xi32, #tpu.memory_space<vmem>>
      %dma_start3A_154 = tpu.memref_squeeze %dma_start3A_153 : memref<1x128xi32, #tpu.memory_space<vmem>> -> memref<128xi32, #tpu.memory_space<vmem>>
      %dma_start3A_155 = arith.constant 0 : i32
      %dma_start3A_156 = arith.constant 0 : i32
      %dma_start3A_157 = tpu.memref_slice %arg5[%dma_start3A_155, %dma_start3A_156] : memref<100000x64xf32, #tpu.memory_space<hbm>> -> memref<100000x64xf32, #tpu.memory_space<hbm>>
      tpu.enqueue_indirect_dma source(%dma_start3A_157 : memref<100000x64xf32, #tpu.memory_space<hbm>>) target(%arg11 : memref<128x64xf32, #tpu.memory_space<vmem>>) offsets(%dma_start3A_154 : memref<128xi32, #tpu.memory_space<vmem>>) semaphore(%arg15 : memref<!tpu.dma_semaphore, #tpu.memory_space<semaphore_mem>>)
      %mul3A_158 = arith.constant 2 : i32
      %mul3A_159 = arith.muli %mul3A_158, %scan3A_146 : i32
      %dma_wait3A_160 = arith.constant 0 : i32
      %dma_wait3A_161 = tpu.memref_slice %arg9[%mul3A_159, %dma_wait3A_160] : memref<50x128xi32, #tpu.memory_space<vmem>> -> memref<1x128xi32, #tpu.memory_space<vmem>>
      %dma_wait3A_162 = tpu.memref_squeeze %dma_wait3A_161 : memref<1x128xi32, #tpu.memory_space<vmem>> -> memref<128xi32, #tpu.memory_space<vmem>>
      %dma_wait3A_163 = arith.constant 0 : i32
      %dma_wait3A_164 = arith.constant 0 : i32
      %dma_wait3A_165 = tpu.memref_slice %arg5[%dma_wait3A_163, %dma_wait3A_164] : memref<100000x64xf32, #tpu.memory_space<hbm>> -> memref<100000x64xf32, #tpu.memory_space<hbm>>
      tpu.wait_indirect_dma semaphore(%arg14 : memref<!tpu.dma_semaphore, #tpu.memory_space<semaphore_mem>>) src(%dma_wait3A_165 : memref<100000x64xf32, #tpu.memory_space<hbm>>) dst(%arg10 : memref<128x64xf32, #tpu.memory_space<vmem>>)
      %mul3A_166 = arith.constant 64 : i32
      %mul3A_167 = arith.muli %mul3A_166, %mul3A_159 : i32
      %add3A_168 = arith.constant 0 : i32
      %add3A_169 = arith.addi %mul3A_167, %add3A_168 : i32
      %get3A_170 = arith.index_cast %add3A_169 : i32 to index
      %get3A_171 = tpu.vector_load %arg13[%get3A_170] {strides = array<i32>} : memref<3200xf32, #tpu.memory_space<vmem>>, vector<16xf32>,
      %get3A_172 = vector.shape_cast %get3A_171 : vector<16xf32> to vector<16xf32>
      %mul3A_173 = arith.constant 64 : i32
      %mul3A_174 = arith.muli %mul3A_173, %mul3A_159 : i32
      %add3A_175 = arith.constant 16 : i32
      %add3A_176 = arith.addi %mul3A_174, %add3A_175 : i32
      %get3A_177 = arith.index_cast %add3A_176 : i32 to index
      %get3A_178 = tpu.vector_load %arg13[%get3A_177] {strides = array<i32>} : memref<3200xf32, #tpu.memory_space<vmem>>, vector<16xf32>,
      %get3A_179 = vector.shape_cast %get3A_178 : vector<16xf32> to vector<16xf32>
      %mul3A_180 = arith.constant 64 : i32
      %mul3A_181 = arith.muli %mul3A_180, %mul3A_159 : i32
      %add3A_182 = arith.constant 32 : i32
      %add3A_183 = arith.addi %mul3A_181, %add3A_182 : i32
      %get3A_184 = arith.index_cast %add3A_183 : i32 to index
      %get3A_185 = tpu.vector_load %arg13[%get3A_184] {strides = array<i32>} : memref<3200xf32, #tpu.memory_space<vmem>>, vector<16xf32>,
      %get3A_186 = vector.shape_cast %get3A_185 : vector<16xf32> to vector<16xf32>
      %mul3A_187 = arith.constant 64 : i32
      %mul3A_188 = arith.muli %mul3A_187, %mul3A_159 : i32
      %add3A_189 = arith.constant 48 : i32
      %add3A_190 = arith.addi %mul3A_188, %add3A_189 : i32
      %get3A_191 = arith.index_cast %add3A_190 : i32 to index
      %get3A_192 = tpu.vector_load %arg13[%get3A_191] {strides = array<i32>} : memref<3200xf32, #tpu.memory_space<vmem>>, vector<16xf32>,
      %get3A_193 = vector.shape_cast %get3A_192 : vector<16xf32> to vector<16xf32>
      %parallel_loop3A_194 = arith.constant 0 : i32
      %parallel_loop3A_195 = arith.constant 128 : i32
      %parallel_loop3A_196 = arith.constant 1 : i32
      scf.for %parallel_loop3A_263 = %parallel_loop3A_194 to %parallel_loop3A_195 step %parallel_loop3A_196  : i32 {
        %parallel_loop3A_264 = arith.index_cast %parallel_loop3A_263 : i32 to index
        %parallel_loop3A_265 = arith.constant 0 : index
        %parallel_loop3A_266 = tpu.vector_load %arg10[%parallel_loop3A_264, %parallel_loop3A_265] {strides = array<i32>} : memref<128x64xf32, #tpu.memory_space<vmem>>, vector<1x16xf32>,
        %parallel_loop3A_267 = vector.shape_cast %parallel_loop3A_266 : vector<1x16xf32> to vector<16xf32>
        %parallel_loop3A_268 = arith.addf %parallel_loop3A_267, %get3A_172 : vector<16xf32>
        %parallel_loop3A_269 = arith.index_cast %parallel_loop3A_263 : i32 to index
        %parallel_loop3A_270 = arith.constant 0 : index
        %parallel_loop3A_271 = tpu.vector_load %arg10[%parallel_loop3A_269, %parallel_loop3A_270] {strides = array<i32>} : memref<128x64xf32, #tpu.memory_space<vmem>>, vector<1x16xf32>,
        %parallel_loop3A_272 = vector.shape_cast %parallel_loop3A_271 : vector<1x16xf32> to vector<16xf32>
        %parallel_loop3A_273 = vector.shape_cast %parallel_loop3A_268 : vector<16xf32> to vector<1x16xf32>
        tpu.vector_store %arg10[%parallel_loop3A_269, %parallel_loop3A_270], %parallel_loop3A_273 {strides = array<i32>} : memref<128x64xf32, #tpu.memory_space<vmem>>, vector<1x16xf32>,
        %parallel_loop3A_274 = arith.index_cast %parallel_loop3A_263 : i32 to index
        %parallel_loop3A_275 = arith.constant 16 : index
        %parallel_loop3A_276 = tpu.vector_load %arg10[%parallel_loop3A_274, %parallel_loop3A_275] {strides = array<i32>} : memref<128x64xf32, #tpu.memory_space<vmem>>, vector<1x16xf32>,
        %parallel_loop3A_277 = vector.shape_cast %parallel_loop3A_276 : vector<1x16xf32> to vector<16xf32>
        %parallel_loop3A_278 = arith.addf %parallel_loop3A_277, %get3A_179 : vector<16xf32>
        %parallel_loop3A_279 = arith.index_cast %parallel_loop3A_263 : i32 to index
        %parallel_loop3A_280 = arith.constant 16 : index
        %parallel_loop3A_281 = tpu.vector_load %arg10[%parallel_loop3A_279, %parallel_loop3A_280] {strides = array<i32>} : memref<128x64xf32, #tpu.memory_space<vmem>>, vector<1x16xf32>,
        %parallel_loop3A_282 = vector.shape_cast %parallel_loop3A_281 : vector<1x16xf32> to vector<16xf32>
        %parallel_loop3A_283 = vector.shape_cast %parallel_loop3A_278 : vector<16xf32> to vector<1x16xf32>
        tpu.vector_store %arg10[%parallel_loop3A_279, %parallel_loop3A_280], %parallel_loop3A_283 {strides = array<i32>} : memref<128x64xf32, #tpu.memory_space<vmem>>, vector<1x16xf32>,
        %parallel_loop3A_284 = arith.index_cast %parallel_loop3A_263 : i32 to index
        %parallel_loop3A_285 = arith.constant 32 : index
        %parallel_loop3A_286 = tpu.vector_load %arg10[%parallel_loop3A_284, %parallel_loop3A_285] {strides = array<i32>} : memref<128x64xf32, #tpu.memory_space<vmem>>, vector<1x16xf32>,
        %parallel_loop3A_287 = vector.shape_cast %parallel_loop3A_286 : vector<1x16xf32> to vector<16xf32>
        %parallel_loop3A_288 = arith.addf %parallel_loop3A_287, %get3A_186 : vector<16xf32>
        %parallel_loop3A_289 = arith.index_cast %parallel_loop3A_263 : i32 to index
        %parallel_loop3A_290 = arith.constant 32 : index
        %parallel_loop3A_291 = tpu.vector_load %arg10[%parallel_loop3A_289, %parallel_loop3A_290] {strides = array<i32>} : memref<128x64xf32, #tpu.memory_space<vmem>>, vector<1x16xf32>,
        %parallel_loop3A_292 = vector.shape_cast %parallel_loop3A_291 : vector<1x16xf32> to vector<16xf32>
        %parallel_loop3A_293 = vector.shape_cast %parallel_loop3A_288 : vector<16xf32> to vector<1x16xf32>
        tpu.vector_store %arg10[%parallel_loop3A_289, %parallel_loop3A_290], %parallel_loop3A_293 {strides = array<i32>} : memref<128x64xf32, #tpu.memory_space<vmem>>, vector<1x16xf32>,
        %parallel_loop3A_294 = arith.index_cast %parallel_loop3A_263 : i32 to index
        %parallel_loop3A_295 = arith.constant 48 : index
        %parallel_loop3A_296 = tpu.vector_load %arg10[%parallel_loop3A_294, %parallel_loop3A_295] {strides = array<i32>} : memref<128x64xf32, #tpu.memory_space<vmem>>, vector<1x16xf32>,
        %parallel_loop3A_297 = vector.shape_cast %parallel_loop3A_296 : vector<1x16xf32> to vector<16xf32>
        %parallel_loop3A_298 = arith.addf %parallel_loop3A_297, %get3A_193 : vector<16xf32>
        %parallel_loop3A_299 = arith.index_cast %parallel_loop3A_263 : i32 to index
        %parallel_loop3A_300 = arith.constant 48 : index
        %parallel_loop3A_301 = tpu.vector_load %arg10[%parallel_loop3A_299, %parallel_loop3A_300] {strides = array<i32>} : memref<128x64xf32, #tpu.memory_space<vmem>>, vector<1x16xf32>,
        %parallel_loop3A_302 = vector.shape_cast %parallel_loop3A_301 : vector<1x16xf32> to vector<16xf32>
        %parallel_loop3A_303 = vector.shape_cast %parallel_loop3A_298 : vector<16xf32> to vector<1x16xf32>
        tpu.vector_store %arg10[%parallel_loop3A_299, %parallel_loop3A_300], %parallel_loop3A_303 {strides = array<i32>} : memref<128x64xf32, #tpu.memory_space<vmem>>, vector<1x16xf32>,
      } {sc.loop_unroll_factor = 8 : i64, sc.parallel_access}
      %mul3A_197 = arith.constant 4096 : i32
      %mul3A_198 = arith.muli %mul3A_159, %mul3A_197 : i32
      %add3A_199 = arith.constant 204800 : i32
      %add3A_200 = arith.addi %add3A_199, %mul3A_198 : i32
      %mul3A_201 = arith.constant 128 : i32
      %mul3A_202 = arith.muli %add3A, %mul3A_201 : i32
      %add3A_203 = arith.addi %add3A_200, %mul3A_202 : i32
      "tpu.region"() ({
        %run_scoped3A = tpu.sem_alloc : memref<!tpu.dma_semaphore, #tpu.memory_space<semaphore_mem>>
        %dma_start3A_263 = arith.constant 0 : i32
        %dma_start3A_264 = tpu.memref_slice %arg8[%add3A_203, %dma_start3A_263] : memref<409600x64xf32, #tpu.memory_space<hbm>> -> memref<128x64xf32, #tpu.memory_space<hbm>>
        %dma_start3A_265 = arith.constant 0 : i32
        %dma_start3A_266 = tpu.memref_slice %arg8[%add3A_203, %dma_start3A_265] : memref<409600x64xf32, #tpu.memory_space<hbm>> -> memref<128x64xf32, #tpu.memory_space<hbm>>
        tpu.enqueue_dma source(%arg10 : memref<128x64xf32, #tpu.memory_space<vmem>>) target(%dma_start3A_266 : memref<128x64xf32, #tpu.memory_space<hbm>>) target_semaphore(%run_scoped3A : memref<!tpu.dma_semaphore, #tpu.memory_space<semaphore_mem>>)
        %dma_wait3A_267 = arith.constant 0 : i32
        %dma_wait3A_268 = tpu.memref_slice %arg8[%add3A_203, %dma_wait3A_267] : memref<409600x64xf32, #tpu.memory_space<hbm>> -> memref<128x64xf32, #tpu.memory_space<hbm>>
        %dma_wait3A_269 = arith.constant 0 : i32
        %dma_wait3A_270 = tpu.memref_slice %arg8[%add3A_203, %dma_wait3A_269] : memref<409600x64xf32, #tpu.memory_space<hbm>> -> memref<128x64xf32, #tpu.memory_space<hbm>>
        tpu.wait_dma2 semaphore(%run_scoped3A : memref<!tpu.dma_semaphore, #tpu.memory_space<semaphore_mem>>) src(%arg10 : memref<128x64xf32, #tpu.memory_space<vmem>>) dst(%dma_wait3A_270 : memref<128x64xf32, #tpu.memory_space<hbm>>)
        tpu.yield
      }) : () -> ()
      %mul3A_204 = arith.constant 2 : i32
      %mul3A_205 = arith.muli %mul3A_204, %scan3A_146 : i32
      %add3A_206 = arith.constant 2 : i32
      %add3A_207 = arith.addi %mul3A_205, %add3A_206 : i32
      %dma_start3A_208 = arith.constant 0 : i32
      %dma_start3A_209 = tpu.memref_slice %arg9[%add3A_207, %dma_start3A_208] : memref<50x128xi32, #tpu.memory_space<vmem>> -> memref<1x128xi32, #tpu.memory_space<vmem>>
      %dma_start3A_210 = tpu.memref_squeeze %dma_start3A_209 : memref<1x128xi32, #tpu.memory_space<vmem>> -> memref<128xi32, #tpu.memory_space<vmem>>
      %dma_start3A_211 = arith.constant 0 : i32
      %dma_start3A_212 = arith.constant 0 : i32
      %dma_start3A_213 = tpu.memref_slice %arg5[%dma_start3A_211, %dma_start3A_212] : memref<100000x64xf32, #tpu.memory_space<hbm>> -> memref<100000x64xf32, #tpu.memory_space<hbm>>
      tpu.enqueue_indirect_dma source(%dma_start3A_213 : memref<100000x64xf32, #tpu.memory_space<hbm>>) target(%arg10 : memref<128x64xf32, #tpu.memory_space<vmem>>) offsets(%dma_start3A_210 : memref<128xi32, #tpu.memory_space<vmem>>) semaphore(%arg14 : memref<!tpu.dma_semaphore, #tpu.memory_space<semaphore_mem>>)
      %mul3A_214 = arith.constant 2 : i32
      %mul3A_215 = arith.muli %mul3A_214, %scan3A_146 : i32
      %add3A_216 = arith.constant 1 : i32
      %add3A_217 = arith.addi %mul3A_215, %add3A_216 : i32
      %dma_wait3A_218 = arith.constant 0 : i32
      %dma_wait3A_219 = tpu.memref_slice %arg9[%add3A_217, %dma_wait3A_218] : memref<50x128xi32, #tpu.memory_space<vmem>> -> memref<1x128xi32, #tpu.memory_space<vmem>>
      %dma_wait3A_220 = tpu.memref_squeeze %dma_wait3A_219 : memref<1x128xi32, #tpu.memory_space<vmem>> -> memref<128xi32, #tpu.memory_space<vmem>>
      %dma_wait3A_221 = arith.constant 0 : i32
      %dma_wait3A_222 = arith.constant 0 : i32
      %dma_wait3A_223 = tpu.memref_slice %arg5[%dma_wait3A_221, %dma_wait3A_222] : memref<100000x64xf32, #tpu.memory_space<hbm>> -> memref<100000x64xf32, #tpu.memory_space<hbm>>
      tpu.wait_indirect_dma semaphore(%arg15 : memref<!tpu.dma_semaphore, #tpu.memory_space<semaphore_mem>>) src(%dma_wait3A_223 : memref<100000x64xf32, #tpu.memory_space<hbm>>) dst(%arg11 : memref<128x64xf32, #tpu.memory_space<vmem>>)
      %mul3A_224 = arith.constant 64 : i32
      %mul3A_225 = arith.muli %mul3A_224, %add3A_217 : i32
      %add3A_226 = arith.constant 0 : i32
      %add3A_227 = arith.addi %mul3A_225, %add3A_226 : i32
      %get3A_228 = arith.index_cast %add3A_227 : i32 to index
      %get3A_229 = tpu.vector_load %arg13[%get3A_228] {strides = array<i32>} : memref<3200xf32, #tpu.memory_space<vmem>>, vector<16xf32>,
      %get3A_230 = vector.shape_cast %get3A_229 : vector<16xf32> to vector<16xf32>
      %mul3A_231 = arith.constant 64 : i32
      %mul3A_232 = arith.muli %mul3A_231, %add3A_217 : i32
      %add3A_233 = arith.constant 16 : i32
      %add3A_234 = arith.addi %mul3A_232, %add3A_233 : i32
      %get3A_235 = arith.index_cast %add3A_234 : i32 to index
      %get3A_236 = tpu.vector_load %arg13[%get3A_235] {strides = array<i32>} : memref<3200xf32, #tpu.memory_space<vmem>>, vector<16xf32>,
      %get3A_237 = vector.shape_cast %get3A_236 : vector<16xf32> to vector<16xf32>
      %mul3A_238 = arith.constant 64 : i32
      %mul3A_239 = arith.muli %mul3A_238, %add3A_217 : i32
      %add3A_240 = arith.constant 32 : i32
      %add3A_241 = arith.addi %mul3A_239, %add3A_240 : i32
      %get3A_242 = arith.index_cast %add3A_241 : i32 to index
      %get3A_243 = tpu.vector_load %arg13[%get3A_242] {strides = array<i32>} : memref<3200xf32, #tpu.memory_space<vmem>>, vector<16xf32>,
      %get3A_244 = vector.shape_cast %get3A_243 : vector<16xf32> to vector<16xf32>
      %mul3A_245 = arith.constant 64 : i32
      %mul3A_246 = arith.muli %mul3A_245, %add3A_217 : i32
      %add3A_247 = arith.constant 48 : i32
      %add3A_248 = arith.addi %mul3A_246, %add3A_247 : i32
      %get3A_249 = arith.index_cast %add3A_248 : i32 to index
      %get3A_250 = tpu.vector_load %arg13[%get3A_249] {strides = array<i32>} : memref<3200xf32, #tpu.memory_space<vmem>>, vector<16xf32>,
      %get3A_251 = vector.shape_cast %get3A_250 : vector<16xf32> to vector<16xf32>
      %parallel_loop3A_252 = arith.constant 0 : i32
      %parallel_loop3A_253 = arith.constant 128 : i32
      %parallel_loop3A_254 = arith.constant 1 : i32
      scf.for %parallel_loop3A_263 = %parallel_loop3A_252 to %parallel_loop3A_253 step %parallel_loop3A_254  : i32 {
        %parallel_loop3A_264 = arith.index_cast %parallel_loop3A_263 : i32 to index
        %parallel_loop3A_265 = arith.constant 0 : index
        %parallel_loop3A_266 = tpu.vector_load %arg11[%parallel_loop3A_264, %parallel_loop3A_265] {strides = array<i32>} : memref<128x64xf32, #tpu.memory_space<vmem>>, vector<1x16xf32>,
        %parallel_loop3A_267 = vector.shape_cast %parallel_loop3A_266 : vector<1x16xf32> to vector<16xf32>
        %parallel_loop3A_268 = arith.addf %parallel_loop3A_267, %get3A_230 : vector<16xf32>
        %parallel_loop3A_269 = arith.index_cast %parallel_loop3A_263 : i32 to index
        %parallel_loop3A_270 = arith.constant 0 : index
        %parallel_loop3A_271 = tpu.vector_load %arg11[%parallel_loop3A_269, %parallel_loop3A_270] {strides = array<i32>} : memref<128x64xf32, #tpu.memory_space<vmem>>, vector<1x16xf32>,
        %parallel_loop3A_272 = vector.shape_cast %parallel_loop3A_271 : vector<1x16xf32> to vector<16xf32>
        %parallel_loop3A_273 = vector.shape_cast %parallel_loop3A_268 : vector<16xf32> to vector<1x16xf32>
        tpu.vector_store %arg11[%parallel_loop3A_269, %parallel_loop3A_270], %parallel_loop3A_273 {strides = array<i32>} : memref<128x64xf32, #tpu.memory_space<vmem>>, vector<1x16xf32>,
        %parallel_loop3A_274 = arith.index_cast %parallel_loop3A_263 : i32 to index
        %parallel_loop3A_275 = arith.constant 16 : index
        %parallel_loop3A_276 = tpu.vector_load %arg11[%parallel_loop3A_274, %parallel_loop3A_275] {strides = array<i32>} : memref<128x64xf32, #tpu.memory_space<vmem>>, vector<1x16xf32>,
        %parallel_loop3A_277 = vector.shape_cast %parallel_loop3A_276 : vector<1x16xf32> to vector<16xf32>
        %parallel_loop3A_278 = arith.addf %parallel_loop3A_277, %get3A_237 : vector<16xf32>
        %parallel_loop3A_279 = arith.index_cast %parallel_loop3A_263 : i32 to index
        %parallel_loop3A_280 = arith.constant 16 : index
        %parallel_loop3A_281 = tpu.vector_load %arg11[%parallel_loop3A_279, %parallel_loop3A_280] {strides = array<i32>} : memref<128x64xf32, #tpu.memory_space<vmem>>, vector<1x16xf32>,
        %parallel_loop3A_282 = vector.shape_cast %parallel_loop3A_281 : vector<1x16xf32> to vector<16xf32>
        %parallel_loop3A_283 = vector.shape_cast %parallel_loop3A_278 : vector<16xf32> to vector<1x16xf32>
        tpu.vector_store %arg11[%parallel_loop3A_279, %parallel_loop3A_280], %parallel_loop3A_283 {strides = array<i32>} : memref<128x64xf32, #tpu.memory_space<vmem>>, vector<1x16xf32>,
        %parallel_loop3A_284 = arith.index_cast %parallel_loop3A_263 : i32 to index
        %parallel_loop3A_285 = arith.constant 32 : index
        %parallel_loop3A_286 = tpu.vector_load %arg11[%parallel_loop3A_284, %parallel_loop3A_285] {strides = array<i32>} : memref<128x64xf32, #tpu.memory_space<vmem>>, vector<1x16xf32>,
        %parallel_loop3A_287 = vector.shape_cast %parallel_loop3A_286 : vector<1x16xf32> to vector<16xf32>
        %parallel_loop3A_288 = arith.addf %parallel_loop3A_287, %get3A_244 : vector<16xf32>
        %parallel_loop3A_289 = arith.index_cast %parallel_loop3A_263 : i32 to index
        %parallel_loop3A_290 = arith.constant 32 : index
        %parallel_loop3A_291 = tpu.vector_load %arg11[%parallel_loop3A_289, %parallel_loop3A_290] {strides = array<i32>} : memref<128x64xf32, #tpu.memory_space<vmem>>, vector<1x16xf32>,
        %parallel_loop3A_292 = vector.shape_cast %parallel_loop3A_291 : vector<1x16xf32> to vector<16xf32>
        %parallel_loop3A_293 = vector.shape_cast %parallel_loop3A_288 : vector<16xf32> to vector<1x16xf32>
        tpu.vector_store %arg11[%parallel_loop3A_289, %parallel_loop3A_290], %parallel_loop3A_293 {strides = array<i32>} : memref<128x64xf32, #tpu.memory_space<vmem>>, vector<1x16xf32>,
        %parallel_loop3A_294 = arith.index_cast %parallel_loop3A_263 : i32 to index
        %parallel_loop3A_295 = arith.constant 48 : index
        %parallel_loop3A_296 = tpu.vector_load %arg11[%parallel_loop3A_294, %parallel_loop3A_295] {strides = array<i32>} : memref<128x64xf32, #tpu.memory_space<vmem>>, vector<1x16xf32>,
        %parallel_loop3A_297 = vector.shape_cast %parallel_loop3A_296 : vector<1x16xf32> to vector<16xf32>
        %parallel_loop3A_298 = arith.addf %parallel_loop3A_297, %get3A_251 : vector<16xf32>
        %parallel_loop3A_299 = arith.index_cast %parallel_loop3A_263 : i32 to index
        %parallel_loop3A_300 = arith.constant 48 : index
        %parallel_loop3A_301 = tpu.vector_load %arg11[%parallel_loop3A_299, %parallel_loop3A_300] {strides = array<i32>} : memref<128x64xf32, #tpu.memory_space<vmem>>, vector<1x16xf32>,
        %parallel_loop3A_302 = vector.shape_cast %parallel_loop3A_301 : vector<1x16xf32> to vector<16xf32>
        %parallel_loop3A_303 = vector.shape_cast %parallel_loop3A_298 : vector<16xf32> to vector<1x16xf32>
        tpu.vector_store %arg11[%parallel_loop3A_299, %parallel_loop3A_300], %parallel_loop3A_303 {strides = array<i32>} : memref<128x64xf32, #tpu.memory_space<vmem>>, vector<1x16xf32>,
      } {sc.loop_unroll_factor = 8 : i64, sc.parallel_access}
      %mul3A_255 = arith.constant 4096 : i32
      %mul3A_256 = arith.muli %add3A_217, %mul3A_255 : i32
      %add3A_257 = arith.constant 204800 : i32
      %add3A_258 = arith.addi %add3A_257, %mul3A_256 : i32
      %mul3A_259 = arith.constant 128 : i32
      %mul3A_260 = arith.muli %add3A, %mul3A_259 : i32
      %add3A_261 = arith.addi %add3A_258, %mul3A_260 : i32
      "tpu.region"() ({
        %run_scoped3A = tpu.sem_alloc : memref<!tpu.dma_semaphore, #tpu.memory_space<semaphore_mem>>
        %dma_start3A_263 = arith.constant 0 : i32
        %dma_start3A_264 = tpu.memref_slice %arg8[%add3A_261, %dma_start3A_263] : memref<409600x64xf32, #tpu.memory_space<hbm>> -> memref<128x64xf32, #tpu.memory_space<hbm>>
        %dma_start3A_265 = arith.constant 0 : i32
        %dma_start3A_266 = tpu.memref_slice %arg8[%add3A_261, %dma_start3A_265] : memref<409600x64xf32, #tpu.memory_space<hbm>> -> memref<128x64xf32, #tpu.memory_space<hbm>>
        tpu.enqueue_dma source(%arg11 : memref<128x64xf32, #tpu.memory_space<vmem>>) target(%dma_start3A_266 : memref<128x64xf32, #tpu.memory_space<hbm>>) target_semaphore(%run_scoped3A : memref<!tpu.dma_semaphore, #tpu.memory_space<semaphore_mem>>)
        %dma_wait3A_267 = arith.constant 0 : i32
        %dma_wait3A_268 = tpu.memref_slice %arg8[%add3A_261, %dma_wait3A_267] : memref<409600x64xf32, #tpu.memory_space<hbm>> -> memref<128x64xf32, #tpu.memory_space<hbm>>
        %dma_wait3A_269 = arith.constant 0 : i32
        %dma_wait3A_270 = tpu.memref_slice %arg8[%add3A_261, %dma_wait3A_269] : memref<409600x64xf32, #tpu.memory_space<hbm>> -> memref<128x64xf32, #tpu.memory_space<hbm>>
        tpu.wait_dma2 semaphore(%run_scoped3A : memref<!tpu.dma_semaphore, #tpu.memory_space<semaphore_mem>>) src(%arg11 : memref<128x64xf32, #tpu.memory_space<vmem>>) dst(%dma_wait3A_270 : memref<128x64xf32, #tpu.memory_space<hbm>>)
        tpu.yield
      }) : () -> ()
      %scan3A_262 = arith.constant 0 : i32
      scf.yield %scan3A_262 : i32
    }
    %scan3A_86 = arith.constant 24 : i32
    %dma_start3A_87 = arith.constant 49 : i32
    %dma_start3A_88 = arith.constant 0 : i32
    %dma_start3A_89 = tpu.memref_slice %arg9[%dma_start3A_87, %dma_start3A_88] : memref<50x128xi32, #tpu.memory_space<vmem>> -> memref<1x128xi32, #tpu.memory_space<vmem>>
    %dma_start3A_90 = tpu.memref_squeeze %dma_start3A_89 : memref<1x128xi32, #tpu.memory_space<vmem>> -> memref<128xi32, #tpu.memory_space<vmem>>
    %dma_start3A_91 = arith.constant 0 : i32
    %dma_start3A_92 = arith.constant 0 : i32
    %dma_start3A_93 = tpu.memref_slice %arg5[%dma_start3A_91, %dma_start3A_92] : memref<100000x64xf32, #tpu.memory_space<hbm>> -> memref<100000x64xf32, #tpu.memory_space<hbm>>
    tpu.enqueue_indirect_dma source(%dma_start3A_93 : memref<100000x64xf32, #tpu.memory_space<hbm>>) target(%arg11 : memref<128x64xf32, #tpu.memory_space<vmem>>) offsets(%dma_start3A_90 : memref<128xi32, #tpu.memory_space<vmem>>) semaphore(%arg15 : memref<!tpu.dma_semaphore, #tpu.memory_space<semaphore_mem>>)
    %dma_wait3A_94 = arith.constant 48 : i32
    %dma_wait3A_95 = arith.constant 0 : i32
    %dma_wait3A_96 = tpu.memref_slice %arg9[%dma_wait3A_94, %dma_wait3A_95] : memref<50x128xi32, #tpu.memory_space<vmem>> -> memref<1x128xi32, #tpu.memory_space<vmem>>
    %dma_wait3A_97 = tpu.memref_squeeze %dma_wait3A_96 : memref<1x128xi32, #tpu.memory_space<vmem>> -> memref<128xi32, #tpu.memory_space<vmem>>
    %dma_wait3A_98 = arith.constant 0 : i32
    %dma_wait3A_99 = arith.constant 0 : i32
    %dma_wait3A_100 = tpu.memref_slice %arg5[%dma_wait3A_98, %dma_wait3A_99] : memref<100000x64xf32, #tpu.memory_space<hbm>> -> memref<100000x64xf32, #tpu.memory_space<hbm>>
    tpu.wait_indirect_dma semaphore(%arg14 : memref<!tpu.dma_semaphore, #tpu.memory_space<semaphore_mem>>) src(%dma_wait3A_100 : memref<100000x64xf32, #tpu.memory_space<hbm>>) dst(%arg10 : memref<128x64xf32, #tpu.memory_space<vmem>>)
    %get3A_101 = arith.constant 3072 : index
    %get3A_102 = tpu.vector_load %arg13[%get3A_101] {strides = array<i32>} : memref<3200xf32, #tpu.memory_space<vmem>>, vector<16xf32>,
    %get3A_103 = vector.shape_cast %get3A_102 : vector<16xf32> to vector<16xf32>
    %get3A_104 = arith.constant 3088 : index
    %get3A_105 = tpu.vector_load %arg13[%get3A_104] {strides = array<i32>} : memref<3200xf32, #tpu.memory_space<vmem>>, vector<16xf32>,
    %get3A_106 = vector.shape_cast %get3A_105 : vector<16xf32> to vector<16xf32>
    %get3A_107 = arith.constant 3104 : index
    %get3A_108 = tpu.vector_load %arg13[%get3A_107] {strides = array<i32>} : memref<3200xf32, #tpu.memory_space<vmem>>, vector<16xf32>,
    %get3A_109 = vector.shape_cast %get3A_108 : vector<16xf32> to vector<16xf32>
    %get3A_110 = arith.constant 3120 : index
    %get3A_111 = tpu.vector_load %arg13[%get3A_110] {strides = array<i32>} : memref<3200xf32, #tpu.memory_space<vmem>>, vector<16xf32>,
    %get3A_112 = vector.shape_cast %get3A_111 : vector<16xf32> to vector<16xf32>
    %parallel_loop3A_113 = arith.constant 0 : i32
    %parallel_loop3A_114 = arith.constant 128 : i32
    %parallel_loop3A_115 = arith.constant 1 : i32
    scf.for %parallel_loop3A_146 = %parallel_loop3A_113 to %parallel_loop3A_114 step %parallel_loop3A_115  : i32 {
      %parallel_loop3A_147 = arith.index_cast %parallel_loop3A_146 : i32 to index
      %parallel_loop3A_148 = arith.constant 0 : index
      %parallel_loop3A_149 = tpu.vector_load %arg10[%parallel_loop3A_147, %parallel_loop3A_148] {strides = array<i32>} : memref<128x64xf32, #tpu.memory_space<vmem>>, vector<1x16xf32>,
      %parallel_loop3A_150 = vector.shape_cast %parallel_loop3A_149 : vector<1x16xf32> to vector<16xf32>
      %parallel_loop3A_151 = arith.addf %parallel_loop3A_150, %get3A_103 : vector<16xf32>
      %parallel_loop3A_152 = arith.index_cast %parallel_loop3A_146 : i32 to index
      %parallel_loop3A_153 = arith.constant 0 : index
      %parallel_loop3A_154 = tpu.vector_load %arg10[%parallel_loop3A_152, %parallel_loop3A_153] {strides = array<i32>} : memref<128x64xf32, #tpu.memory_space<vmem>>, vector<1x16xf32>,
      %parallel_loop3A_155 = vector.shape_cast %parallel_loop3A_154 : vector<1x16xf32> to vector<16xf32>
      %parallel_loop3A_156 = vector.shape_cast %parallel_loop3A_151 : vector<16xf32> to vector<1x16xf32>
      tpu.vector_store %arg10[%parallel_loop3A_152, %parallel_loop3A_153], %parallel_loop3A_156 {strides = array<i32>} : memref<128x64xf32, #tpu.memory_space<vmem>>, vector<1x16xf32>,
      %parallel_loop3A_157 = arith.index_cast %parallel_loop3A_146 : i32 to index
      %parallel_loop3A_158 = arith.constant 16 : index
      %parallel_loop3A_159 = tpu.vector_load %arg10[%parallel_loop3A_157, %parallel_loop3A_158] {strides = array<i32>} : memref<128x64xf32, #tpu.memory_space<vmem>>, vector<1x16xf32>,
      %parallel_loop3A_160 = vector.shape_cast %parallel_loop3A_159 : vector<1x16xf32> to vector<16xf32>
      %parallel_loop3A_161 = arith.addf %parallel_loop3A_160, %get3A_106 : vector<16xf32>
      %parallel_loop3A_162 = arith.index_cast %parallel_loop3A_146 : i32 to index
      %parallel_loop3A_163 = arith.constant 16 : index
      %parallel_loop3A_164 = tpu.vector_load %arg10[%parallel_loop3A_162, %parallel_loop3A_163] {strides = array<i32>} : memref<128x64xf32, #tpu.memory_space<vmem>>, vector<1x16xf32>,
      %parallel_loop3A_165 = vector.shape_cast %parallel_loop3A_164 : vector<1x16xf32> to vector<16xf32>
      %parallel_loop3A_166 = vector.shape_cast %parallel_loop3A_161 : vector<16xf32> to vector<1x16xf32>
      tpu.vector_store %arg10[%parallel_loop3A_162, %parallel_loop3A_163], %parallel_loop3A_166 {strides = array<i32>} : memref<128x64xf32, #tpu.memory_space<vmem>>, vector<1x16xf32>,
      %parallel_loop3A_167 = arith.index_cast %parallel_loop3A_146 : i32 to index
      %parallel_loop3A_168 = arith.constant 32 : index
      %parallel_loop3A_169 = tpu.vector_load %arg10[%parallel_loop3A_167, %parallel_loop3A_168] {strides = array<i32>} : memref<128x64xf32, #tpu.memory_space<vmem>>, vector<1x16xf32>,
      %parallel_loop3A_170 = vector.shape_cast %parallel_loop3A_169 : vector<1x16xf32> to vector<16xf32>
      %parallel_loop3A_171 = arith.addf %parallel_loop3A_170, %get3A_109 : vector<16xf32>
      %parallel_loop3A_172 = arith.index_cast %parallel_loop3A_146 : i32 to index
      %parallel_loop3A_173 = arith.constant 32 : index
      %parallel_loop3A_174 = tpu.vector_load %arg10[%parallel_loop3A_172, %parallel_loop3A_173] {strides = array<i32>} : memref<128x64xf32, #tpu.memory_space<vmem>>, vector<1x16xf32>,
      %parallel_loop3A_175 = vector.shape_cast %parallel_loop3A_174 : vector<1x16xf32> to vector<16xf32>
      %parallel_loop3A_176 = vector.shape_cast %parallel_loop3A_171 : vector<16xf32> to vector<1x16xf32>
      tpu.vector_store %arg10[%parallel_loop3A_172, %parallel_loop3A_173], %parallel_loop3A_176 {strides = array<i32>} : memref<128x64xf32, #tpu.memory_space<vmem>>, vector<1x16xf32>,
      %parallel_loop3A_177 = arith.index_cast %parallel_loop3A_146 : i32 to index
      %parallel_loop3A_178 = arith.constant 48 : index
      %parallel_loop3A_179 = tpu.vector_load %arg10[%parallel_loop3A_177, %parallel_loop3A_178] {strides = array<i32>} : memref<128x64xf32, #tpu.memory_space<vmem>>, vector<1x16xf32>,
      %parallel_loop3A_180 = vector.shape_cast %parallel_loop3A_179 : vector<1x16xf32> to vector<16xf32>
      %parallel_loop3A_181 = arith.addf %parallel_loop3A_180, %get3A_112 : vector<16xf32>
      %parallel_loop3A_182 = arith.index_cast %parallel_loop3A_146 : i32 to index
      %parallel_loop3A_183 = arith.constant 48 : index
      %parallel_loop3A_184 = tpu.vector_load %arg10[%parallel_loop3A_182, %parallel_loop3A_183] {strides = array<i32>} : memref<128x64xf32, #tpu.memory_space<vmem>>, vector<1x16xf32>,
      %parallel_loop3A_185 = vector.shape_cast %parallel_loop3A_184 : vector<1x16xf32> to vector<16xf32>
      %parallel_loop3A_186 = vector.shape_cast %parallel_loop3A_181 : vector<16xf32> to vector<1x16xf32>
      tpu.vector_store %arg10[%parallel_loop3A_182, %parallel_loop3A_183], %parallel_loop3A_186 {strides = array<i32>} : memref<128x64xf32, #tpu.memory_space<vmem>>, vector<1x16xf32>,
    } {sc.loop_unroll_factor = 8 : i64, sc.parallel_access}
    %mul3A_116 = arith.constant 128 : i32
    %mul3A_117 = arith.muli %add3A, %mul3A_116 : i32
    %add3A_118 = arith.constant 401408 : i32
    %add3A_119 = arith.addi %add3A_118, %mul3A_117 : i32
    "tpu.region"() ({
      %run_scoped3A = tpu.sem_alloc : memref<!tpu.dma_semaphore, #tpu.memory_space<semaphore_mem>>
      %dma_start3A_146 = arith.constant 0 : i32
      %dma_start3A_147 = tpu.memref_slice %arg8[%add3A_119, %dma_start3A_146] : memref<409600x64xf32, #tpu.memory_space<hbm>> -> memref<128x64xf32, #tpu.memory_space<hbm>>
      %dma_start3A_148 = arith.constant 0 : i32
      %dma_start3A_149 = tpu.memref_slice %arg8[%add3A_119, %dma_start3A_148] : memref<409600x64xf32, #tpu.memory_space<hbm>> -> memref<128x64xf32, #tpu.memory_space<hbm>>
      tpu.enqueue_dma source(%arg10 : memref<128x64xf32, #tpu.memory_space<vmem>>) target(%dma_start3A_149 : memref<128x64xf32, #tpu.memory_space<hbm>>) target_semaphore(%run_scoped3A : memref<!tpu.dma_semaphore, #tpu.memory_space<semaphore_mem>>)
      %dma_wait3A_150 = arith.constant 0 : i32
      %dma_wait3A_151 = tpu.memref_slice %arg8[%add3A_119, %dma_wait3A_150] : memref<409600x64xf32, #tpu.memory_space<hbm>> -> memref<128x64xf32, #tpu.memory_space<hbm>>
      %dma_wait3A_152 = arith.constant 0 : i32
      %dma_wait3A_153 = tpu.memref_slice %arg8[%add3A_119, %dma_wait3A_152] : memref<409600x64xf32, #tpu.memory_space<hbm>> -> memref<128x64xf32, #tpu.memory_space<hbm>>
      tpu.wait_dma2 semaphore(%run_scoped3A : memref<!tpu.dma_semaphore, #tpu.memory_space<semaphore_mem>>) src(%arg10 : memref<128x64xf32, #tpu.memory_space<vmem>>) dst(%dma_wait3A_153 : memref<128x64xf32, #tpu.memory_space<hbm>>)
      tpu.yield
    }) : () -> ()
    %dma_wait3A_120 = arith.constant 49 : i32
    %dma_wait3A_121 = arith.constant 0 : i32
    %dma_wait3A_122 = tpu.memref_slice %arg9[%dma_wait3A_120, %dma_wait3A_121] : memref<50x128xi32, #tpu.memory_space<vmem>> -> memref<1x128xi32, #tpu.memory_space<vmem>>
    %dma_wait3A_123 = tpu.memref_squeeze %dma_wait3A_122 : memref<1x128xi32, #tpu.memory_space<vmem>> -> memref<128xi32, #tpu.memory_space<vmem>>
    %dma_wait3A_124 = arith.constant 0 : i32
    %dma_wait3A_125 = arith.constant 0 : i32
    %dma_wait3A_126 = tpu.memref_slice %arg5[%dma_wait3A_124, %dma_wait3A_125] : memref<100000x64xf32, #tpu.memory_space<hbm>> -> memref<100000x64xf32, #tpu.memory_space<hbm>>
    tpu.wait_indirect_dma semaphore(%arg15 : memref<!tpu.dma_semaphore, #tpu.memory_space<semaphore_mem>>) src(%dma_wait3A_126 : memref<100000x64xf32, #tpu.memory_space<hbm>>) dst(%arg11 : memref<128x64xf32, #tpu.memory_space<vmem>>)
    %get3A_127 = arith.constant 3136 : index
    %get3A_128 = tpu.vector_load %arg13[%get3A_127] {strides = array<i32>} : memref<3200xf32, #tpu.memory_space<vmem>>, vector<16xf32>,
    %get3A_129 = vector.shape_cast %get3A_128 : vector<16xf32> to vector<16xf32>
    %get3A_130 = arith.constant 3152 : index
    %get3A_131 = tpu.vector_load %arg13[%get3A_130] {strides = array<i32>} : memref<3200xf32, #tpu.memory_space<vmem>>, vector<16xf32>,
    %get3A_132 = vector.shape_cast %get3A_131 : vector<16xf32> to vector<16xf32>
    %get3A_133 = arith.constant 3168 : index
    %get3A_134 = tpu.vector_load %arg13[%get3A_133] {strides = array<i32>} : memref<3200xf32, #tpu.memory_space<vmem>>, vector<16xf32>,
    %get3A_135 = vector.shape_cast %get3A_134 : vector<16xf32> to vector<16xf32>
    %get3A_136 = arith.constant 3184 : index
    %get3A_137 = tpu.vector_load %arg13[%get3A_136] {strides = array<i32>} : memref<3200xf32, #tpu.memory_space<vmem>>, vector<16xf32>,
    %get3A_138 = vector.shape_cast %get3A_137 : vector<16xf32> to vector<16xf32>
    %parallel_loop3A_139 = arith.constant 0 : i32
    %parallel_loop3A_140 = arith.constant 128 : i32
    %parallel_loop3A_141 = arith.constant 1 : i32
    scf.for %parallel_loop3A_146 = %parallel_loop3A_139 to %parallel_loop3A_140 step %parallel_loop3A_141  : i32 {
      %parallel_loop3A_147 = arith.index_cast %parallel_loop3A_146 : i32 to index
      %parallel_loop3A_148 = arith.constant 0 : index
      %parallel_loop3A_149 = tpu.vector_load %arg11[%parallel_loop3A_147, %parallel_loop3A_148] {strides = array<i32>} : memref<128x64xf32, #tpu.memory_space<vmem>>, vector<1x16xf32>,
      %parallel_loop3A_150 = vector.shape_cast %parallel_loop3A_149 : vector<1x16xf32> to vector<16xf32>
      %parallel_loop3A_151 = arith.addf %parallel_loop3A_150, %get3A_129 : vector<16xf32>
      %parallel_loop3A_152 = arith.index_cast %parallel_loop3A_146 : i32 to index
      %parallel_loop3A_153 = arith.constant 0 : index
      %parallel_loop3A_154 = tpu.vector_load %arg11[%parallel_loop3A_152, %parallel_loop3A_153] {strides = array<i32>} : memref<128x64xf32, #tpu.memory_space<vmem>>, vector<1x16xf32>,
      %parallel_loop3A_155 = vector.shape_cast %parallel_loop3A_154 : vector<1x16xf32> to vector<16xf32>
      %parallel_loop3A_156 = vector.shape_cast %parallel_loop3A_151 : vector<16xf32> to vector<1x16xf32>
      tpu.vector_store %arg11[%parallel_loop3A_152, %parallel_loop3A_153], %parallel_loop3A_156 {strides = array<i32>} : memref<128x64xf32, #tpu.memory_space<vmem>>, vector<1x16xf32>,
      %parallel_loop3A_157 = arith.index_cast %parallel_loop3A_146 : i32 to index
      %parallel_loop3A_158 = arith.constant 16 : index
      %parallel_loop3A_159 = tpu.vector_load %arg11[%parallel_loop3A_157, %parallel_loop3A_158] {strides = array<i32>} : memref<128x64xf32, #tpu.memory_space<vmem>>, vector<1x16xf32>,
      %parallel_loop3A_160 = vector.shape_cast %parallel_loop3A_159 : vector<1x16xf32> to vector<16xf32>
      %parallel_loop3A_161 = arith.addf %parallel_loop3A_160, %get3A_132 : vector<16xf32>
      %parallel_loop3A_162 = arith.index_cast %parallel_loop3A_146 : i32 to index
      %parallel_loop3A_163 = arith.constant 16 : index
      %parallel_loop3A_164 = tpu.vector_load %arg11[%parallel_loop3A_162, %parallel_loop3A_163] {strides = array<i32>} : memref<128x64xf32, #tpu.memory_space<vmem>>, vector<1x16xf32>,
      %parallel_loop3A_165 = vector.shape_cast %parallel_loop3A_164 : vector<1x16xf32> to vector<16xf32>
      %parallel_loop3A_166 = vector.shape_cast %parallel_loop3A_161 : vector<16xf32> to vector<1x16xf32>
      tpu.vector_store %arg11[%parallel_loop3A_162, %parallel_loop3A_163], %parallel_loop3A_166 {strides = array<i32>} : memref<128x64xf32, #tpu.memory_space<vmem>>, vector<1x16xf32>,
      %parallel_loop3A_167 = arith.index_cast %parallel_loop3A_146 : i32 to index
      %parallel_loop3A_168 = arith.constant 32 : index
      %parallel_loop3A_169 = tpu.vector_load %arg11[%parallel_loop3A_167, %parallel_loop3A_168] {strides = array<i32>} : memref<128x64xf32, #tpu.memory_space<vmem>>, vector<1x16xf32>,
      %parallel_loop3A_170 = vector.shape_cast %parallel_loop3A_169 : vector<1x16xf32> to vector<16xf32>
      %parallel_loop3A_171 = arith.addf %parallel_loop3A_170, %get3A_135 : vector<16xf32>
      %parallel_loop3A_172 = arith.index_cast %parallel_loop3A_146 : i32 to index
      %parallel_loop3A_173 = arith.constant 32 : index
      %parallel_loop3A_174 = tpu.vector_load %arg11[%parallel_loop3A_172, %parallel_loop3A_173] {strides = array<i32>} : memref<128x64xf32, #tpu.memory_space<vmem>>, vector<1x16xf32>,
      %parallel_loop3A_175 = vector.shape_cast %parallel_loop3A_174 : vector<1x16xf32> to vector<16xf32>
      %parallel_loop3A_176 = vector.shape_cast %parallel_loop3A_171 : vector<16xf32> to vector<1x16xf32>
      tpu.vector_store %arg11[%parallel_loop3A_172, %parallel_loop3A_173], %parallel_loop3A_176 {strides = array<i32>} : memref<128x64xf32, #tpu.memory_space<vmem>>, vector<1x16xf32>,
      %parallel_loop3A_177 = arith.index_cast %parallel_loop3A_146 : i32 to index
      %parallel_loop3A_178 = arith.constant 48 : index
      %parallel_loop3A_179 = tpu.vector_load %arg11[%parallel_loop3A_177, %parallel_loop3A_178] {strides = array<i32>} : memref<128x64xf32, #tpu.memory_space<vmem>>, vector<1x16xf32>,
      %parallel_loop3A_180 = vector.shape_cast %parallel_loop3A_179 : vector<1x16xf32> to vector<16xf32>
      %parallel_loop3A_181 = arith.addf %parallel_loop3A_180, %get3A_138 : vector<16xf32>
      %parallel_loop3A_182 = arith.index_cast %parallel_loop3A_146 : i32 to index
      %parallel_loop3A_183 = arith.constant 48 : index
      %parallel_loop3A_184 = tpu.vector_load %arg11[%parallel_loop3A_182, %parallel_loop3A_183] {strides = array<i32>} : memref<128x64xf32, #tpu.memory_space<vmem>>, vector<1x16xf32>,
      %parallel_loop3A_185 = vector.shape_cast %parallel_loop3A_184 : vector<1x16xf32> to vector<16xf32>
      %parallel_loop3A_186 = vector.shape_cast %parallel_loop3A_181 : vector<16xf32> to vector<1x16xf32>
      tpu.vector_store %arg11[%parallel_loop3A_182, %parallel_loop3A_183], %parallel_loop3A_186 {strides = array<i32>} : memref<128x64xf32, #tpu.memory_space<vmem>>, vector<1x16xf32>,
    } {sc.loop_unroll_factor = 8 : i64, sc.parallel_access}
    %mul3A_142 = arith.constant 128 : i32
    %mul3A_143 = arith.muli %add3A, %mul3A_142 : i32
    %add3A_144 = arith.constant 405504 : i32
    %add3A_145 = arith.addi %add3A_144, %mul3A_143 : i32
    "tpu.region"() ({
      %run_scoped3A = tpu.sem_alloc : memref<!tpu.dma_semaphore, #tpu.memory_space<semaphore_mem>>
      %dma_start3A_146 = arith.constant 0 : i32
      %dma_start3A_147 = tpu.memref_slice %arg8[%add3A_145, %dma_start3A_146] : memref<409600x64xf32, #tpu.memory_space<hbm>> -> memref<128x64xf32, #tpu.memory_space<hbm>>
      %dma_start3A_148 = arith.constant 0 : i32
      %dma_start3A_149 = tpu.memref_slice %arg8[%add3A_145, %dma_start3A_148] : memref<409600x64xf32, #tpu.memory_space<hbm>> -> memref<128x64xf32, #tpu.memory_space<hbm>>
      tpu.enqueue_dma source(%arg11 : memref<128x64xf32, #tpu.memory_space<vmem>>) target(%dma_start3A_149 : memref<128x64xf32, #tpu.memory_space<hbm>>) target_semaphore(%run_scoped3A : memref<!tpu.dma_semaphore, #tpu.memory_space<semaphore_mem>>)
      %dma_wait3A_150 = arith.constant 0 : i32
      %dma_wait3A_151 = tpu.memref_slice %arg8[%add3A_145, %dma_wait3A_150] : memref<409600x64xf32, #tpu.memory_space<hbm>> -> memref<128x64xf32, #tpu.memory_space<hbm>>
      %dma_wait3A_152 = arith.constant 0 : i32
      %dma_wait3A_153 = tpu.memref_slice %arg8[%add3A_145, %dma_wait3A_152] : memref<409600x64xf32, #tpu.memory_space<hbm>> -> memref<128x64xf32, #tpu.memory_space<hbm>>
      tpu.wait_dma2 semaphore(%run_scoped3A : memref<!tpu.dma_semaphore, #tpu.memory_space<semaphore_mem>>) src(%arg11 : memref<128x64xf32, #tpu.memory_space<vmem>>) dst(%dma_wait3A_153 : memref<128x64xf32, #tpu.memory_space<hbm>>)
      tpu.yield
    }) : () -> ()
    return
  }
}

</mosaic_0001>

<sc_bundles>
// kernel: kernel.3.cloned.1.call-start
scs
__scs_entry_jumppad:
0x0: {  	(pc) =	sbr.rel $0x88, $3  }
0x1: {  	(tag) =	ssettag $0x0;
	lr =	simm.s32 $0x1  }
0x2: {  	[smem:$0x3F9B] =	sst lr;
	_ =	strace $0xD0000000  }
0x3: {  	_ = 	snop  }
0x4: {  	_ = 	snop  }
0x5: {  	_ = 	snop  }
0x6: {  	_ = 	snop  }
0x7: {  	_ = 	snop  }
__scs_overlays_trampoline_lowered:
0x8: {  	[smem:$0x3FAA] =	sst s0  }
0x9: {  	[smem:$0x3FAB] =	sst s1  }
0xa: {  	[smem:$0x3FAC] =	sst s2  }
0xb: {  	[smem:$0x3FAD] =	sst s3  }
0xc: {  	[smem:$0x3FAE] =	sst s4  }
0xd: {  	[smem:$0x3FAF] =	sst s5  }
0xe: {  	[smem:$0x3FB0] =	sst s6  }
0xf: {  	[smem:$0x3FB1] =	sst s7  }
0x10: {  	[smem:$0x3FB2] =	sst s8  }
0x11: {  	[smem:$0x3FB3] =	sst s9;
	s0 =	simm.s32 @!p0 $0x0  }
0x12: {  	s1 =	sld [smem:$0x3F99];
	s0 =	simm.s32 @p0 $0x1  }
0x13: {  	[smem:$0x3FB4] =	sst s0;
	s0 =	simm.s32 @!p1 $0x0  }
0x14: {  	s2 =	sld [smem:$0x3F98];
	s0 =	simm.s32 @p1 $0x1  }
0x15: {  	[smem:$0x3FB5] =	sst s0;
	s0 =	simm.s32 @!p2 $0x0  }
0x16: {  	s3 =	sld [smem:$0x3FDB];
	s0 =	simm.s32 @p2 $0x1  }
0x17: {  	s4 =	simm.s32 $0x1BF5;
	[smem:$0x3FB7] =	sst s0  }
0x18: {  	s0 =	sld [smem:$0x3F9A];
	_ =	swait.ge [sflag:s4], $0x0  }
0x19: {  	s7 =	sld [smem:$0x3F9B]  }
0x1a: {  	s8 =	sadd.s32 $0xFFFFE003, lr  }
0x1b: {  	s9 =	sadd.s32 $0xFFFFFEF7, lr;
	s5 =	simm.s32 $0xFFFFFFFF;
	p2 =	slt.u32 s8, $0xFFFFF086  }
0x1c: {  	p1 =	slt.u32 s9, $0xF7A;
	s5 =	simm.s32 @!p2 $0x0  }
0x1d: {  	s5 =	simm.s32 @p1 $0x1;
	p0 =	seq.s32 s7, s2  }
0x1e: {  	s7 =	smul.u32 @!p0 $0xF7A, s2;
	p2 =	seq.s32 @!p0 s5, $0x0  }
0x1f: {  	s9 =	smul.u32 $0xF7A, s1;
	s8 =	simm.s32 @!p0 $0x1BF5;
	p2 =	por !p2, p0  }
0x20: {  	[sflag:s8] =	ssyncset.s32 @!p0 $0xFFFFF086;
	s6 =	sadd.s32 @!p0 s3, s7;
	s7 =	simm.s32 @!p0 $0x108  }
0x21: {  	s3 =	sadd.s32 s3, s9;
	s6 =	sadd.s32 @!p0 $0x88, s6;
	s7 =	simm.s32 @p2 $0x1082  }
0x22: {  	[simem:s7], [sflag:s8] =	dma.local @!p0 [hbm:s6], $0xF7A  }
0x23: {  	s9 =	sor.u32 $0xD0000000, s2;
	s6 =	simm.s32 $0x108;
	_ =	swait.ge @!p0 [sflag:s8], $0x0  }
0x24: {  	s3 =	sadd.s32 $0x88, s3;
	s6 =	simm.s32 @!p1 $0x1082;
	[sflag:s4] =	ssyncset.s32 $0xFFFFF086  }
0x25: {  	[simem:s6], [sflag:s4] =	dma.local [hbm:s3], $0xF7A  }
0x26: {  	[smem:$0x3F9B] =	sst s1;
	(tag) =	ssettag s2;
	_ =	strace s9  }
0x27: {  	s1 =	sld [smem:$0x3FAB]  }
0x28: {  	s2 =	sld [smem:$0x3FAC]  }
0x29: {  	s4 =	sld [smem:$0x3FAE]  }
0x2a: {  	p0 =	seq.s32 s5, $0x0;
	s5 =	sld [smem:$0x3FAF]  }
0x2b: {  	s6 =	sld [smem:$0x3FB0]  }
0x2c: {  	s7 =	sld [smem:$0x3FB1]  }
0x2d: {  	s3 =	simm.s32 $0x108;
	s8 =	sld [smem:$0x3FB2]  }
0x2e: {  	s3 =	simm.s32 @!p0 $0x1082;
	s9 =	sld [smem:$0x3FB3]  }
0x2f: {  	lr =	sadd.s32 s0, s3;
	s0 =	sld [smem:$0x3FAA]  }
0x30: {  	s3 =	sld [smem:$0x3FAD]  }
0x31: {  	[smem:$0x3FB6] =	sst s10  }
0x32: {  	s10 =	sld [smem:$0x3FB4];
	_ =	sdelay $0x3  }
0x33: {  	p0 =	seq.s32 s10, $0x1;
	s10 =	sld [smem:$0x3FB6];
	_ =	sdelay $0x3  }
0x34: {  	[smem:$0x3FB6] =	sst s10  }
0x35: {  	s10 =	sld [smem:$0x3FB5];
	_ =	sdelay $0x3  }
0x36: {  	p1 =	seq.s32 s10, $0x1;
	s10 =	sld [smem:$0x3FB6];
	_ =	sdelay $0x3  }
0x37: {  	[smem:$0x3FB6] =	sst s10  }
0x38: {  	s10 =	sld [smem:$0x3FB7]  }
0x39: {  	_ = 	snop;
	(pc) =	sbr.ind lr, $3  }
0x3a: {  	_ = 	snop  }
0x3b: {  	_ = 	snop  }
0x3c: {  	p2 =	seq.s32 s10, $0x1;
	s10 =	sld [smem:$0x3FB6]  }
0x3d: {  	_ =	shalt  }
0x3e: {  	_ =	shalt  }
0x3f: {  	_ =	shalt  }
0x40: {  	_ =	shalt  }
0x41: {  	_ =	shalt  }
0x42: {  	_ =	shalt  }
0x43: {  	_ =	shalt  }
0x44: {  	_ =	shalt  }
0x45: {  	_ =	shalt  }
0x46: {  	_ =	shalt  }
0x47: {  	_ =	shalt  }
0x48: {  	_ =	shalt  }
0x49: {  	_ =	shalt  }
0x4a: {  	_ =	shalt  }
0x4b: {  	_ =	shalt  }
0x4c: {  	_ =	shalt  }
0x4d: {  	_ =	shalt  }
0x4e: {  	_ =	shalt  }
0x4f: {  	_ =	shalt  }
0x50: {  	_ =	shalt  }
0x51: {  	_ =	shalt  }
0x52: {  	_ =	shalt  }
0x53: {  	_ =	shalt  }
0x54: {  	_ =	shalt  }
0x55: {  	_ =	shalt  }
0x56: {  	_ =	shalt  }
0x57: {  	_ =	shalt  }
0x58: {  	_ =	shalt  }
0x59: {  	_ =	shalt  }
0x5a: {  	_ =	shalt  }
0x5b: {  	_ =	shalt  }
0x5c: {  	_ =	shalt  }
0x5d: {  	_ =	shalt  }
0x5e: {  	_ =	shalt  }
0x5f: {  	_ =	shalt  }
0x60: {  	_ =	shalt  }
0x61: {  	_ =	shalt  }
0x62: {  	_ =	shalt  }
0x63: {  	_ =	shalt  }
0x64: {  	_ =	shalt  }
0x65: {  	_ =	shalt  }
0x66: {  	_ =	shalt  }
0x67: {  	_ =	shalt  }
0x68: {  	_ =	shalt  }
0x69: {  	_ =	shalt  }
0x6a: {  	_ =	shalt  }
0x6b: {  	_ =	shalt  }
0x6c: {  	_ =	shalt  }
0x6d: {  	_ =	shalt  }
0x6e: {  	_ =	shalt  }
0x6f: {  	_ =	shalt  }
0x70: {  	_ =	shalt  }
0x71: {  	_ =	shalt  }
0x72: {  	_ =	shalt  }
0x73: {  	_ =	shalt  }
0x74: {  	_ =	shalt  }
0x75: {  	_ =	shalt  }
0x76: {  	_ =	shalt  }
0x77: {  	_ =	shalt  }
0x78: {  	_ =	shalt  }
0x79: {  	_ =	shalt  }
0x7a: {  	_ =	shalt  }
0x7b: {  	_ =	shalt  }
0x7c: {  	_ =	shalt  }
0x7d: {  	_ =	shalt  }
0x7e: {  	_ =	shalt  }
0x7f: {  	_ =	shalt  }
0x80: {  	_ =	shalt  }
0x81: {  	_ =	shalt  }
0x82: {  	_ =	shalt  }
0x83: {  	_ =	shalt  }
0x84: {  	_ =	shalt  }
0x85: {  	_ =	shalt  }
0x86: {  	_ =	shalt  }
0x87: {  	_ =	shalt  }
.Lfunc_end0:
.L_simem_size_0:
called_computation.1_lowered:
.L_overlay_start_0:
0x88: {  	s2 =	sld [smem:$0x3FD9]  }
0x89: {  	s3 =	sld [smem:$0x3FFE];
	_ =	sdelay $0x1  }
0x8a: {  	s1 =	srdreg.scid  }
0x8b: {  	s0 =	sand.u32 $0x1, s1  }
0x8c: {  	s17 =	sshll.u32 s0, $0xA;
	s2 =	sadd.s32 s3, s2  }
0x8d: {  	s2 =	sadd.s32 s2, s17  }
0x8e: {  	[smem:$0x3FC2] =	sst s2  }
0x8f: {  	_ = 	snop  }
0x90: {  	s2 =	sld [smem:$0x3FD0];
	(tm) =	ssettm $0x1  }
0x91: {  	s18 =	sld [smem:$0x3FFB];
	_ =	sdelay $0x3  }
0x92: {  	_ =	strace s18  }
0x93: {  	s3 =	sld [smem:$0x3FFC];
	_ =	sdelay $0x3  }
0x94: {  	_ =	strace s3  }
0x95: {  	s3 =	sld [smem:$0x3FFD];
	_ =	sdelay $0x3  }
0x96: {  	_ =	strace s3  }
0x97: {  	_ =	strace $0x8FFFFFFF  }
0x98: {  	s19 =	sld [smem:$0x3FDB];
	_ =	sdelay $0x1  }
0x99: {  	s4 =	simm.s32 $_scs_section_size  }
0x9a: {  	s5 =	simm.s32 $_size__tile_overlayer_lowered;
	s6 =	simm.s32 $_tile_overlayer_lowered  }
0x9b: {  	s22 =	simm.s32 $0x1BFF;
	s21 =	sshll.u32 s6, $0x1;
	s3 =	sadd.s32 s4, s19  }
0x9c: {  	s7 =	simm.s32 $0x0;
	s20 =	sshll.u32 s5, $0x1;
	s5 =	sadd.s32 s21, s3  }
0x9d: {  	[timem:s7], [sflag:s22] =	dma.local [hbm:s5], s20  }
0x9e: {  	_ =	swait.ge [sflag:s22], s20  }
0x9f: {  	s4 =	ssub.s32 $0x0, s20;
	[sflag:s22] =	ssyncset.done $0x0  }
0xa0: {  	[sflag:s22] =	ssyncadd.s32 s4;
	_ =	sdelay $0x1  }
0xa1: {  	s23 =	simm.s32 $0x1B8B  }
0xa2: {  	_ =	swait.ge [sflag:s23], $0x1  }
0xa3: {  	[sflag:s23] =	ssyncset.done $0x0  }
0xa4: {  	s25 =	simm.s32 $0x1B8E;
	s24 =	sld [smem:$0x3FFE];
	[sflag:s23] =	ssyncadd.s32 $0xFFFFFFFF  }
0xa5: {  	s26 =	simm.s32 $execute0_lowered;
	[smem:$0x3FD2] =	sst s25  }
0xa6: {  	s5 =	sshll.u32 s26, $0x1;
	_ =	strace $0x80000046;
	[dreg:$0x1] =	wrdreg $0xFFFFFFFF  }
0xa7: {  	s28 =	simm.s32 $_size_execute0_lowered;
	s3 =	sadd.s32 s3, s5;
	[dreg:$0x0] =	wrdreg $0x0  }
0xa8: {  	s5 =	sshll.u32 s28, $0x1;
	[dreg:$0x2] =	wrdreg s3  }
0xa9: {  	[dreg:$0x3] =	wrdreg s5  }
0xaa: {  	[dreg:$0x4] =	wrdreg $0xC0  }
0xab: {  	_ =	task [dreg:s7], $0x5FFFF  }
0xac: {  	[dreg:$0x1] =	wrdreg $0xFFFFFFFF  }
0xad: {  	[dreg:$0x0] =	wrdreg $0x60  }
0xae: {  	[dreg:$0x2] =	wrdreg s24  }
0xaf: {  	[dreg:$0x3] =	wrdreg s2  }
0xb0: {  	[dreg:$0x4] =	wrdreg $0x9  }
0xb1: {  	_ =	task.clear_ibuf [dreg:s7], $0x5FFFF;
	_ =	strace $0x90000046  }
0xb2: {  	s29 =	simm.s32 $0x9;
	_ =	strace $0x80000048  }
0xb3: {  	_ =	swait.ge [sflag:s29], $0x1  }
0xb4: {  	[sflag:s29] =	ssyncadd.s32 $0xFFFFFFFF  }
0xb5: {  	_ =	strace $0x90000048  }
0xb6: {  	_ =	sfence  }
0xb7: {  	s30 =	sld [smem:$0x0];
	_ =	sdelay $0x2  }
0xb8: {  	s31 =	sshll.u32 s1, $0xD;
	s1 =	sshrl.u32 s1, $0x2  }
0xb9: {  	s3 =	sand.u32 $0x4000, s31;
	s1 =	sadd.s32 s1, s30  }
0xba: {  	s0 =	sor.u32 s3, s0;
	s1 =	sshll.u32 s1, $0x11  }
0xbb: {  	s0 =	sor.u32 s1, s0  }
0xbc: {  	s0 =	sadd.s32 $0x8F2B, s0  }
0xbd: {  	[sflag:s0] =	ssyncadd.remote.s32 $0x1  }
0xbe: {  	_ =	sfence.sel $0xFFFF  }
0xbf: {  	[dreg:$0x0] =	wrdreg $0xFFFFFFFF;
	(pc) =	sbr.abs _section_cstart, $3  }
0xc0: {  	[dreg:$0x1] =	wrdreg $0xFFFFFFFF  }
0xc1: {  	_ =	task.clear_ibuf [dreg:s7], $0x2FFFF;
	_ =	strace $0x9FFFFFFF  }
0xc2: {  	(tm) =	ssettm $0x7FFFFFFF  }
0xc3: {  	_ =	shalt  }
tec
execute0_lowered:
.L_overlay_start_1:
0x0: {  	(tag) =	ssettag $0x1  }
0x1: {  	s1 =	srdreg.scid;
	s6 =	rddreg [dreg:$0x0]  }
0x2: {  	s0 =	stileid.u32;
	s8 =	rddreg [dreg:$0x1];
	s2 =	simm.s32 $0x0  }
0x3: {  	s16 =	simm.s32 $0x5900;
	s17 =	simm.s32 $0x3;
	s18 =	simm.s32 $0x6580  }
0x4: {  	s19 =	simm.s32 $0x80;
	s20 =	simm.s32 $0x1000;
	s21 =	simm.s32 $0x1900  }
0x5: {  	s22 =	simm.s32 $0x3900;
	s23 =	simm.s32 $0x1;
	s24 =	simm.s32 $0x2  }
0x6: {  	s25 =	simm.s32 $0x1880;
	s26 =	simm.s32 $0x0;
	s1 =	sand.u32 $0x1, s1  }
0x7: {  	s3 =	sshll.u32 s0, $0x8;
	[smem:$0x7FF] =	sst s2;
	s5 =	sadd.s32 $0xD1200, s6  }
0x8: {  	s4 =	sshll.u32 s1, $0x7;
	_ =	strace $0x80000047;
	s1 =	ssub.s32 $0x2, s1  }
0x9: {  	s7 =	sor.u32 s4, s3;
	s4 =	sadd.s32 $0x1200, s6;
	s9 =	sshrl.u32 s1, $0x1  }
0xa: {  	s3 =	sshrl.u32 s7, $0x3;
	s10 =	sshll.u32 s7, $0x3;
	s1 =	ssub.s32 s1, s9  }
0xb: {  	s11 =	sadd.s32 s3, s6;
	s3 =	sadd.s32 $0xF43600, s6;
	s6 =	sadd.s32 $0xD1000, s6  }
0xc: {  	s8 =	sadd.s32 s8, s10;
	s14 =	smax.u32 s1, $0x1;
	s7 =	sadd.s32 $0xCAC00, s11  }
0xd: {  	s9 =	sadd.s32 $0x180000, s8;
	s10 =	sadd.s32 $0x188000, s8;
	s11 =	sadd.s32 $0xC4800, s11  }
0xe: {  	s12 =	sadd.s32 $0x310000, s8;
	s13 =	sadd.s32 $0x318000, s8;
	s15 =	sadd.s32 $0x190000, s8  }
.LBB2_1:
0xf: {  	[tilespmem:s16], [sflag:$0x3] =	stream.linear.gather [hbm4b:s5+s2], $0xC80, $0x38;
	[tilespmem:$0x7200] =	vst v63  }
0x10: {  	_ =	swait.ge [sflag:s17], $0xC80  }
0x11: {  	[sflag:s17] =	ssyncset.done $0x0  }
0x12: {  	[sflag:s17] =	ssyncadd.s32 $0xFFFFF380  }
0x13: {  	[tilespmem:s18], [sflag:$0x3] =	stream.linear.gather [hbm4b:s6+s2], $0xC80, $0x38;
	[tilespmem:$0x7200] =	vst v63  }
0x14: {  	_ =	swait.ge [sflag:s17], $0xC80  }
0x15: {  	[sflag:s17] =	ssyncset.done $0x0  }
0x16: {  	[sflag:s17] =	ssyncadd.s32 $0xFFFFF380  }
0x17: {  	[tilespmem:s2], [sflag:$0x3] =	stream.strided.gather [hbm4b:s7+s19], $0x1900, s20, s19, $0x38;
	[tilespmem:$0x7200] =	vst v63  }
0x18: {  	_ =	swait.ge [sflag:s17], $0x1900  }
0x19: {  	[sflag:s17] =	ssyncset.done $0x0  }
0x1a: {  	s28 =	simm.s32 $0x0;
	[sflag:s17] =	ssyncadd.s32 $0xFFFFE700  }
0x1b: {  	[tilespmem:s21], [sflag:$0x1] =	stream.indirect.gather [hbm4b:s3+s19], $0x40, s2, s19, $0xb8;
	[tilespmem:$0x7200] =	vst v63  }
.LBB2_2:
0x1c: {  	s29 =	sshllo.u32 s28, $0x1  }
0x1d: {  	s1 =	sshll.u32 s29, $0x7  }
0x1e: {  	s1 =	sand.u32 $0x3FFFFF80, s1  }
0x1f: {  	[tilespmem:s22], [sflag:$0x2] =	stream.indirect.gather [hbm4b:s3+s19], $0x40, s1, s19, $0xb8;
	[tilespmem:$0x7200] =	vst v63  }
0x20: {  	_ =	swait.ge [sflag:s23], $0x2000  }
0x21: {  	s1 =	sshll.u32 s28, $0x7;
	[sflag:s23] =	ssyncset.done $0x0  }
0x22: {  	s1 =	sand.u32 $0x3FFFFF80, s1;
	[sflag:s23] =	ssyncadd.s32 $0xFFFFE000  }
0x23: {  	v0 =	vld [tilespmem:s1+$0x5900]  }
0x24: {  	v2 =	vld [tilespmem:s1+$0x5910]  }
0x25: {  	v1 =	vld [tilespmem:s1+$0x5920]  }
0x26: {  	s30 =	simm.s32 $0x1A00;
	v3 =	vld [tilespmem:s1+$0x5930]  }
0x27: {  	v4 =	vld [tilespmem:s30+$0xF0]  }
0x28: {  	v5 =	vld [tilespmem:s30+$0xFFFFFF10]  }
0x29: {  	v6 =	vld [tilespmem:s30+$0xFFFFFF20]  }
0x2a: {  	v7 =	vld [tilespmem:s30+$0xFFFFFF30]  }
0x2b: {  	v8 =	vld [tilespmem:s30+$0xFFFFFF40]  }
0x2c: {  	v9 =	vld [tilespmem:s30+$0xFFFFFF50];
	v4 =	vadd.f32 v4, v3  }
0x2d: {  	v10 =	vld [tilespmem:s30+$0xFFFFFF60];
	v5 =	vadd.f32 v5, v2  }
0x2e: {  	v11 =	vld [tilespmem:s30+$0xFFFFFF70];
	v6 =	vadd.f32 v6, v1;
	[tilespmem:s30+$0xF0] =	vst v4  }
0x2f: {  	[tilespmem:s30+$0xFFFFFF10] =	vst v5;
	v4 =	vadd.f32 v7, v3;
	v5 =	vld [tilespmem:s30+$0xFFFFFF80]  }
0x30: {  	[tilespmem:s30+$0xFFFFFF20] =	vst v6;
	v6 =	vadd.f32 v8, v0;
	v7 =	vld [tilespmem:s30+$0xFFFFFF90]  }
0x31: {  	v8 =	vld [tilespmem:s30+$0xFFFFFFA0];
	[tilespmem:s30+$0xFFFFFF30] =	vst v4;
	v4 =	vadd.f32 v9, v2  }
0x32: {  	[tilespmem:s30+$0xFFFFFF40] =	vst v6;
	v6 =	vadd.f32 v10, v1;
	v9 =	vld [tilespmem:s30+$0xFFFFFFB0]  }
0x33: {  	v10 =	vld [tilespmem:s30+$0xFFFFFFC0];
	[tilespmem:s30+$0xFFFFFF50] =	vst v4;
	v4 =	vadd.f32 v11, v3  }
0x34: {  	[tilespmem:s30+$0xFFFFFF60] =	vst v6;
	v6 =	vld [tilespmem:s30+$0xFFFFFFD0];
	v5 =	vadd.f32 v5, v0  }
0x35: {  	[tilespmem:s30+$0xFFFFFF70] =	vst v4;
	v4 =	vadd.f32 v7, v2;
	v7 =	vld [tilespmem:s30+$0xFFFFFFE0]  }
0x36: {  	[tilespmem:s30+$0xFFFFFF80] =	vst v5;
	v5 =	vadd.f32 v8, v1;
	v8 =	vld [tilespmem:s30+$0xFFFFFFF0]  }
0x37: {  	[tilespmem:s30+$0xFFFFFF90] =	vst v4;
	v4 =	vadd.f32 v9, v3;
	v9 =	vld [tilespmem:s30+$0x0]  }
0x38: {  	[tilespmem:s30+$0xFFFFFFA0] =	vst v5;
	v5 =	vadd.f32 v10, v0;
	v10 =	vld [tilespmem:s30+$0x10]  }
0x39: {  	[tilespmem:s30+$0xFFFFFFB0] =	vst v4;
	v4 =	vadd.f32 v6, v2;
	v6 =	vld [tilespmem:s30+$0x20]  }
0x3a: {  	[tilespmem:s30+$0xFFFFFFC0] =	vst v5;
	v5 =	vadd.f32 v7, v1;
	v7 =	vld [tilespmem:s30+$0x30]  }
0x3b: {  	[tilespmem:s30+$0xFFFFFFD0] =	vst v4;
	v4 =	vadd.f32 v8, v3;
	v8 =	vld [tilespmem:s30+$0x40]  }
0x3c: {  	[tilespmem:s30+$0xFFFFFFE0] =	vst v5;
	v5 =	vadd.f32 v9, v0;
	v9 =	vld [tilespmem:s30+$0x50]  }
0x3d: {  	[tilespmem:s30+$0xFFFFFFF0] =	vst v4;
	v4 =	vadd.f32 v10, v2;
	v10 =	vld [tilespmem:s30+$0x60]  }
0x3e: {  	[tilespmem:s30+$0x0] =	vst v5;
	v5 =	vadd.f32 v6, v1;
	v6 =	vld [tilespmem:s30+$0x70]  }
0x3f: {  	[tilespmem:s30+$0x10] =	vst v4;
	v4 =	vadd.f32 v7, v3;
	v7 =	vld [tilespmem:s30+$0x80]  }
0x40: {  	[tilespmem:s30+$0x20] =	vst v5;
	v5 =	vadd.f32 v8, v0;
	v8 =	vld [tilespmem:s30+$0x90]  }
0x41: {  	v11 =	vld [tilespmem:s30+$0xA0];
	[tilespmem:s30+$0x30] =	vst v4;
	v9 =	vadd.f32 v9, v2  }
0x42: {  	v4 =	vld [tilespmem:s30+$0xB0];
	[tilespmem:s30+$0x40] =	vst v5;
	v10 =	vadd.f32 v10, v1  }
0x43: {  	v5 =	vld [tilespmem:s30+$0xC0];
	[tilespmem:s30+$0x50] =	vst v9;
	v9 =	vadd.f32 v6, v3  }
0x44: {  	v6 =	vld [tilespmem:s30+$0xD0];
	[tilespmem:s30+$0x60] =	vst v10;
	v10 =	vadd.f32 v7, v0  }
0x45: {  	v7 =	vld [tilespmem:s30+$0xE0];
	[tilespmem:s30+$0x70] =	vst v9;
	v9 =	vadd.f32 v8, v2  }
0x46: {  	s31 =	simm.s32 $0x0;
	s1 =	simm.s32 $0x1C00;
	v8 =	vld [tilespmem:s30+$0xFFFFFF00];
	[tilespmem:s30+$0x80] =	vst v10;
	v10 =	vadd.f32 v11, v1  }
.LBB2_3:
0x47: {  	v11 =	vld [tilespmem:s1+$0xF0];
	s31 =	sadd.s32 $0x8, s31;
	[tilespmem:s30+$0x90] =	vst v9;
	v4 =	vadd.f32 v4, v3  }
0x48: {  	v9 =	vld [tilespmem:s1+$0xFFFFFF10];
	p0 =	slt.u32 s31, $0x78;
	[tilespmem:s30+$0xA0] =	vst v10;
	v5 =	vadd.f32 v5, v0  }
0x49: {  	v10 =	vld [tilespmem:s1+$0xFFFFFF20];
	[tilespmem:s30+$0xB0] =	vst v4;
	v4 =	vadd.f32 v6, v2  }
0x4a: {  	v6 =	vld [tilespmem:s1+$0xFFFFFF30];
	[tilespmem:s30+$0xC0] =	vst v5;
	v5 =	vadd.f32 v7, v1  }
0x4b: {  	v7 =	vld [tilespmem:s1+$0xFFFFFF40];
	v8 =	vadd.f32 v8, v0;
	[tilespmem:s30+$0xD0] =	vst v4  }
0x4c: {  	v4 =	vld [tilespmem:s1+$0xFFFFFF50];
	v11 =	vadd.f32 v11, v3;
	[tilespmem:s30+$0xE0] =	vst v5  }
0x4d: {  	v5 =	vadd.f32 v9, v2;
	v9 =	vld [tilespmem:s1+$0xFFFFFF60];
	[tilespmem:s30+$0xFFFFFF00] =	vst v8;
	s30 =	smov.u32 s1  }
0x4e: {  	v8 =	vadd.f32 v10, v1;
	v10 =	vld [tilespmem:s1+$0xFFFFFF70];
	[tilespmem:s1+$0xF0] =	vst v11  }
0x4f: {  	[tilespmem:s1+$0xFFFFFF10] =	vst v5;
	v5 =	vadd.f32 v6, v3;
	v6 =	vld [tilespmem:s1+$0xFFFFFF80]  }
0x50: {  	[tilespmem:s1+$0xFFFFFF20] =	vst v8;
	v7 =	vadd.f32 v7, v0;
	v8 =	vld [tilespmem:s1+$0xFFFFFF90]  }
0x51: {  	[tilespmem:s1+$0xFFFFFF30] =	vst v5;
	v4 =	vadd.f32 v4, v2;
	v5 =	vld [tilespmem:s1+$0xFFFFFFA0]  }
0x52: {  	[tilespmem:s1+$0xFFFFFF40] =	vst v7;
	v7 =	vadd.f32 v9, v1;
	v9 =	vld [tilespmem:s1+$0xFFFFFFB0]  }
0x53: {  	[tilespmem:s1+$0xFFFFFF50] =	vst v4;
	v4 =	vadd.f32 v10, v3;
	v10 =	vld [tilespmem:s1+$0xFFFFFFC0]  }
0x54: {  	[tilespmem:s1+$0xFFFFFF60] =	vst v7;
	v6 =	vadd.f32 v6, v0;
	v7 =	vld [tilespmem:s1+$0xFFFFFFD0]  }
0x55: {  	[tilespmem:s1+$0xFFFFFF70] =	vst v4;
	v4 =	vadd.f32 v8, v2;
	v8 =	vld [tilespmem:s1+$0xFFFFFFE0]  }
0x56: {  	[tilespmem:s1+$0xFFFFFF80] =	vst v6;
	v5 =	vadd.f32 v5, v1;
	v6 =	vld [tilespmem:s1+$0xFFFFFFF0]  }
0x57: {  	[tilespmem:s1+$0xFFFFFF90] =	vst v4;
	v4 =	vadd.f32 v9, v3;
	v9 =	vld [tilespmem:s1+$0x0]  }
0x58: {  	[tilespmem:s1+$0xFFFFFFA0] =	vst v5;
	v5 =	vadd.f32 v10, v0;
	v10 =	vld [tilespmem:s1+$0x10]  }
0x59: {  	[tilespmem:s1+$0xFFFFFFB0] =	vst v4;
	v4 =	vadd.f32 v7, v2;
	v7 =	vld [tilespmem:s1+$0x20]  }
0x5a: {  	[tilespmem:s1+$0xFFFFFFC0] =	vst v5;
	v5 =	vadd.f32 v8, v1;
	v8 =	vld [tilespmem:s1+$0x30]  }
0x5b: {  	[tilespmem:s1+$0xFFFFFFD0] =	vst v4;
	v4 =	vadd.f32 v6, v3;
	v6 =	vld [tilespmem:s1+$0x40]  }
0x5c: {  	[tilespmem:s1+$0xFFFFFFE0] =	vst v5;
	v5 =	vadd.f32 v9, v0;
	v9 =	vld [tilespmem:s1+$0x50]  }
0x5d: {  	[tilespmem:s1+$0xFFFFFFF0] =	vst v4;
	v4 =	vadd.f32 v10, v2;
	v10 =	vld [tilespmem:s1+$0x60]  }
0x5e: {  	[tilespmem:s1+$0x0] =	vst v5;
	v5 =	vadd.f32 v7, v1;
	v7 =	vld [tilespmem:s1+$0x70]  }
0x5f: {  	[tilespmem:s1+$0x10] =	vst v4;
	v4 =	vadd.f32 v8, v3;
	v8 =	vld [tilespmem:s1+$0x80]  }
0x60: {  	[tilespmem:s1+$0x20] =	vst v5;
	v5 =	vadd.f32 v6, v0;
	v11 =	vld [tilespmem:s1+$0x90]  }
0x61: {  	[tilespmem:s1+$0x30] =	vst v4;
	v6 =	vadd.f32 v9, v2;
	v12 =	vld [tilespmem:s1+$0xA0]  }
.Ltmp0:
0x62: {  	[tilespmem:s1+$0x40] =	vst v5;
	v9 =	vadd.f32 v10, v1;
	v4 =	vld [tilespmem:s1+$0xB0];
	(pc) =	sbr.rel @p0 .LBB2_3-.Ltmp0, $4  }
0x63: {  	[tilespmem:s1+$0x50] =	vst v6;
	v7 =	vadd.f32 v7, v3;
	v5 =	vld [tilespmem:s1+$0xC0]  }
0x64: {  	[tilespmem:s1+$0x60] =	vst v9;
	v10 =	vadd.f32 v8, v0;
	v6 =	vld [tilespmem:s1+$0xD0]  }
0x65: {  	[tilespmem:s1+$0x70] =	vst v7;
	v9 =	vadd.f32 v11, v2;
	v7 =	vld [tilespmem:s1+$0xE0]  }
0x66: {  	s1 =	sadd.s32 $0x200, s1;
	v8 =	vld [tilespmem:s30+$0xFFFFFF00];
	[tilespmem:s30+$0x80] =	vst v10;
	v10 =	vadd.f32 v12, v1  }
0x67: {  	[tilespmem:s30+$0x90] =	vst v9;
	v3 =	vadd.f32 v4, v3  }
0x68: {  	[tilespmem:s30+$0xA0] =	vst v10;
	v4 =	vadd.f32 v5, v0  }
0x69: {  	[tilespmem:s30+$0xB0] =	vst v3;
	v2 =	vadd.f32 v6, v2  }
0x6a: {  	[tilespmem:s30+$0xC0] =	vst v4;
	v1 =	vadd.f32 v7, v1  }
0x6b: {  	v0 =	vadd.f32 v8, v0;
	[tilespmem:s30+$0xD0] =	vst v2  }
0x6c: {  	s1 =	sshll.u32 s28, $0x10;
	[tilespmem:s30+$0xE0] =	vst v1  }
0x6d: {  	s1 =	sadd.s32 s1, s8;
	[tilespmem:s30+$0xFFFFFF00] =	vst v0  }
0x6e: {  	[hbm4b:s1+s2] =	stream.linear.scatter [tilespmem:s21], [sflag:$0x3], $0x2000, $0x38;
	[tilespmem:$0x7200] =	vst v63  }
0x6f: {  	s1 =	sshll.u32 s28, $0x8;
	_ =	swait.ge [sflag:s17], $0x2000  }
0x70: {  	s1 =	sand.u32 $0x3FFFFF00, s1;
	[sflag:s17] =	ssyncset.done $0x0  }
0x71: {  	s1 =	sadd.s32 $0x100, s1;
	[sflag:s17] =	ssyncadd.s32 $0xFFFFE000  }
0x72: {  	[tilespmem:s21], [sflag:$0x1] =	stream.indirect.gather [hbm4b:s3+s19], $0x40, s1, s19, $0xb8;
	[tilespmem:$0x7200] =	vst v63  }
0x73: {  	_ =	swait.ge [sflag:s24], $0x2000  }
0x74: {  	s1 =	sshll.u32 s29, $0x6;
	[sflag:s24] =	ssyncset.done $0x0  }
0x75: {  	s1 =	sand.u32 $0x3FFFFFC0, s1;
	[sflag:s24] =	ssyncadd.s32 $0xFFFFE000  }
0x76: {  	v0 =	vld [tilespmem:s1+$0x5900]  }
0x77: {  	v2 =	vld [tilespmem:s1+$0x5910]  }
0x78: {  	v1 =	vld [tilespmem:s1+$0x5920]  }
0x79: {  	s30 =	simm.s32 $0x3A00;
	v3 =	vld [tilespmem:s1+$0x5930]  }
0x7a: {  	v4 =	vld [tilespmem:s30+$0xF0]  }
0x7b: {  	v5 =	vld [tilespmem:s30+$0xFFFFFF10]  }
0x7c: {  	v6 =	vld [tilespmem:s30+$0xFFFFFF20]  }
0x7d: {  	v7 =	vld [tilespmem:s30+$0xFFFFFF30]  }
0x7e: {  	v8 =	vld [tilespmem:s30+$0xFFFFFF40]  }
0x7f: {  	v9 =	vld [tilespmem:s30+$0xFFFFFF50];
	v4 =	vadd.f32 v4, v3  }
0x80: {  	v10 =	vld [tilespmem:s30+$0xFFFFFF60];
	v5 =	vadd.f32 v5, v2  }
0x81: {  	v11 =	vld [tilespmem:s30+$0xFFFFFF70];
	v6 =	vadd.f32 v6, v1;
	[tilespmem:s30+$0xF0] =	vst v4  }
0x82: {  	[tilespmem:s30+$0xFFFFFF10] =	vst v5;
	v4 =	vadd.f32 v7, v3;
	v5 =	vld [tilespmem:s30+$0xFFFFFF80]  }
0x83: {  	[tilespmem:s30+$0xFFFFFF20] =	vst v6;
	v6 =	vadd.f32 v8, v0;
	v7 =	vld [tilespmem:s30+$0xFFFFFF90]  }
0x84: {  	v8 =	vld [tilespmem:s30+$0xFFFFFFA0];
	[tilespmem:s30+$0xFFFFFF30] =	vst v4;
	v4 =	vadd.f32 v9, v2  }
0x85: {  	[tilespmem:s30+$0xFFFFFF40] =	vst v6;
	v6 =	vadd.f32 v10, v1;
	v9 =	vld [tilespmem:s30+$0xFFFFFFB0]  }
0x86: {  	v10 =	vld [tilespmem:s30+$0xFFFFFFC0];
	[tilespmem:s30+$0xFFFFFF50] =	vst v4;
	v4 =	vadd.f32 v11, v3  }
0x87: {  	[tilespmem:s30+$0xFFFFFF60] =	vst v6;
	v6 =	vld [tilespmem:s30+$0xFFFFFFD0];
	v5 =	vadd.f32 v5, v0  }
0x88: {  	[tilespmem:s30+$0xFFFFFF70] =	vst v4;
	v4 =	vadd.f32 v7, v2;
	v7 =	vld [tilespmem:s30+$0xFFFFFFE0]  }
0x89: {  	[tilespmem:s30+$0xFFFFFF80] =	vst v5;
	v5 =	vadd.f32 v8, v1;
	v8 =	vld [tilespmem:s30+$0xFFFFFFF0]  }
0x8a: {  	[tilespmem:s30+$0xFFFFFF90] =	vst v4;
	v4 =	vadd.f32 v9, v3;
	v9 =	vld [tilespmem:s30+$0x0]  }
0x8b: {  	[tilespmem:s30+$0xFFFFFFA0] =	vst v5;
	v5 =	vadd.f32 v10, v0;
	v10 =	vld [tilespmem:s30+$0x10]  }
0x8c: {  	[tilespmem:s30+$0xFFFFFFB0] =	vst v4;
	v4 =	vadd.f32 v6, v2;
	v6 =	vld [tilespmem:s30+$0x20]  }
0x8d: {  	[tilespmem:s30+$0xFFFFFFC0] =	vst v5;
	v5 =	vadd.f32 v7, v1;
	v7 =	vld [tilespmem:s30+$0x30]  }
0x8e: {  	[tilespmem:s30+$0xFFFFFFD0] =	vst v4;
	v4 =	vadd.f32 v8, v3;
	v8 =	vld [tilespmem:s30+$0x40]  }
0x8f: {  	[tilespmem:s30+$0xFFFFFFE0] =	vst v5;
	v5 =	vadd.f32 v9, v0;
	v9 =	vld [tilespmem:s30+$0x50]  }
0x90: {  	[tilespmem:s30+$0xFFFFFFF0] =	vst v4;
	v4 =	vadd.f32 v10, v2;
	v10 =	vld [tilespmem:s30+$0x60]  }
0x91: {  	[tilespmem:s30+$0x0] =	vst v5;
	v5 =	vadd.f32 v6, v1;
	v6 =	vld [tilespmem:s30+$0x70]  }
0x92: {  	[tilespmem:s30+$0x10] =	vst v4;
	v4 =	vadd.f32 v7, v3;
	v7 =	vld [tilespmem:s30+$0x80]  }
0x93: {  	[tilespmem:s30+$0x20] =	vst v5;
	v5 =	vadd.f32 v8, v0;
	v8 =	vld [tilespmem:s30+$0x90]  }
0x94: {  	v11 =	vld [tilespmem:s30+$0xA0];
	[tilespmem:s30+$0x30] =	vst v4;
	v9 =	vadd.f32 v9, v2  }
0x95: {  	v4 =	vld [tilespmem:s30+$0xB0];
	[tilespmem:s30+$0x40] =	vst v5;
	v10 =	vadd.f32 v10, v1  }
0x96: {  	v5 =	vld [tilespmem:s30+$0xC0];
	[tilespmem:s30+$0x50] =	vst v9;
	v9 =	vadd.f32 v6, v3  }
0x97: {  	v6 =	vld [tilespmem:s30+$0xD0];
	[tilespmem:s30+$0x60] =	vst v10;
	v10 =	vadd.f32 v7, v0  }
0x98: {  	v7 =	vld [tilespmem:s30+$0xE0];
	[tilespmem:s30+$0x70] =	vst v9;
	v9 =	vadd.f32 v8, v2  }
0x99: {  	s31 =	simm.s32 $0x0;
	s1 =	simm.s32 $0x3C00;
	v8 =	vld [tilespmem:s30+$0xFFFFFF00];
	[tilespmem:s30+$0x80] =	vst v10;
	v10 =	vadd.f32 v11, v1  }
.LBB2_5:
0x9a: {  	v11 =	vld [tilespmem:s1+$0xF0];
	s31 =	sadd.s32 $0x8, s31;
	[tilespmem:s30+$0x90] =	vst v9;
	v4 =	vadd.f32 v4, v3  }
0x9b: {  	v9 =	vld [tilespmem:s1+$0xFFFFFF10];
	p0 =	slt.u32 s31, $0x78;
	[tilespmem:s30+$0xA0] =	vst v10;
	v5 =	vadd.f32 v5, v0  }
0x9c: {  	v10 =	vld [tilespmem:s1+$0xFFFFFF20];
	[tilespmem:s30+$0xB0] =	vst v4;
	v4 =	vadd.f32 v6, v2  }
0x9d: {  	v6 =	vld [tilespmem:s1+$0xFFFFFF30];
	[tilespmem:s30+$0xC0] =	vst v5;
	v5 =	vadd.f32 v7, v1  }
0x9e: {  	v7 =	vld [tilespmem:s1+$0xFFFFFF40];
	v8 =	vadd.f32 v8, v0;
	[tilespmem:s30+$0xD0] =	vst v4  }
0x9f: {  	v4 =	vld [tilespmem:s1+$0xFFFFFF50];
	v11 =	vadd.f32 v11, v3;
	[tilespmem:s30+$0xE0] =	vst v5  }
0xa0: {  	v5 =	vadd.f32 v9, v2;
	v9 =	vld [tilespmem:s1+$0xFFFFFF60];
	[tilespmem:s30+$0xFFFFFF00] =	vst v8;
	s30 =	smov.u32 s1  }
0xa1: {  	v8 =	vadd.f32 v10, v1;
	v10 =	vld [tilespmem:s1+$0xFFFFFF70];
	[tilespmem:s1+$0xF0] =	vst v11  }
0xa2: {  	[tilespmem:s1+$0xFFFFFF10] =	vst v5;
	v5 =	vadd.f32 v6, v3;
	v6 =	vld [tilespmem:s1+$0xFFFFFF80]  }
0xa3: {  	[tilespmem:s1+$0xFFFFFF20] =	vst v8;
	v7 =	vadd.f32 v7, v0;
	v8 =	vld [tilespmem:s1+$0xFFFFFF90]  }
0xa4: {  	[tilespmem:s1+$0xFFFFFF30] =	vst v5;
	v4 =	vadd.f32 v4, v2;
	v5 =	vld [tilespmem:s1+$0xFFFFFFA0]  }
0xa5: {  	[tilespmem:s1+$0xFFFFFF40] =	vst v7;
	v7 =	vadd.f32 v9, v1;
	v9 =	vld [tilespmem:s1+$0xFFFFFFB0]  }
0xa6: {  	[tilespmem:s1+$0xFFFFFF50] =	vst v4;
	v4 =	vadd.f32 v10, v3;
	v10 =	vld [tilespmem:s1+$0xFFFFFFC0]  }
0xa7: {  	[tilespmem:s1+$0xFFFFFF60] =	vst v7;
	v6 =	vadd.f32 v6, v0;
	v7 =	vld [tilespmem:s1+$0xFFFFFFD0]  }
0xa8: {  	[tilespmem:s1+$0xFFFFFF70] =	vst v4;
	v4 =	vadd.f32 v8, v2;
	v8 =	vld [tilespmem:s1+$0xFFFFFFE0]  }
0xa9: {  	[tilespmem:s1+$0xFFFFFF80] =	vst v6;
	v5 =	vadd.f32 v5, v1;
	v6 =	vld [tilespmem:s1+$0xFFFFFFF0]  }
0xaa: {  	[tilespmem:s1+$0xFFFFFF90] =	vst v4;
	v4 =	vadd.f32 v9, v3;
	v9 =	vld [tilespmem:s1+$0x0]  }
0xab: {  	[tilespmem:s1+$0xFFFFFFA0] =	vst v5;
	v5 =	vadd.f32 v10, v0;
	v10 =	vld [tilespmem:s1+$0x10]  }
0xac: {  	[tilespmem:s1+$0xFFFFFFB0] =	vst v4;
	v4 =	vadd.f32 v7, v2;
	v7 =	vld [tilespmem:s1+$0x20]  }
0xad: {  	[tilespmem:s1+$0xFFFFFFC0] =	vst v5;
	v5 =	vadd.f32 v8, v1;
	v8 =	vld [tilespmem:s1+$0x30]  }
0xae: {  	[tilespmem:s1+$0xFFFFFFD0] =	vst v4;
	v4 =	vadd.f32 v6, v3;
	v6 =	vld [tilespmem:s1+$0x40]  }
0xaf: {  	[tilespmem:s1+$0xFFFFFFE0] =	vst v5;
	v5 =	vadd.f32 v9, v0;
	v9 =	vld [tilespmem:s1+$0x50]  }
0xb0: {  	[tilespmem:s1+$0xFFFFFFF0] =	vst v4;
	v4 =	vadd.f32 v10, v2;
	v10 =	vld [tilespmem:s1+$0x60]  }
0xb1: {  	[tilespmem:s1+$0x0] =	vst v5;
	v5 =	vadd.f32 v7, v1;
	v7 =	vld [tilespmem:s1+$0x70]  }
0xb2: {  	[tilespmem:s1+$0x10] =	vst v4;
	v4 =	vadd.f32 v8, v3;
	v8 =	vld [tilespmem:s1+$0x80]  }
0xb3: {  	[tilespmem:s1+$0x20] =	vst v5;
	v5 =	vadd.f32 v6, v0;
	v11 =	vld [tilespmem:s1+$0x90]  }
0xb4: {  	[tilespmem:s1+$0x30] =	vst v4;
	v6 =	vadd.f32 v9, v2;
	v12 =	vld [tilespmem:s1+$0xA0]  }
.Ltmp1:
0xb5: {  	[tilespmem:s1+$0x40] =	vst v5;
	v9 =	vadd.f32 v10, v1;
	v4 =	vld [tilespmem:s1+$0xB0];
	(pc) =	sbr.rel @p0 .LBB2_5-.Ltmp1, $4  }
0xb6: {  	[tilespmem:s1+$0x50] =	vst v6;
	v7 =	vadd.f32 v7, v3;
	v5 =	vld [tilespmem:s1+$0xC0]  }
0xb7: {  	[tilespmem:s1+$0x60] =	vst v9;
	v10 =	vadd.f32 v8, v0;
	v6 =	vld [tilespmem:s1+$0xD0]  }
0xb8: {  	[tilespmem:s1+$0x70] =	vst v7;
	v9 =	vadd.f32 v11, v2;
	v7 =	vld [tilespmem:s1+$0xE0]  }
0xb9: {  	s1 =	sadd.s32 $0x200, s1;
	v8 =	vld [tilespmem:s30+$0xFFFFFF00];
	[tilespmem:s30+$0x80] =	vst v10;
	v10 =	vadd.f32 v12, v1  }
0xba: {  	[tilespmem:s30+$0x90] =	vst v9;
	v3 =	vadd.f32 v4, v3  }
0xbb: {  	[tilespmem:s30+$0xA0] =	vst v10;
	v62 =	vadd.f32 v5, v0  }
0xbc: {  	[tilespmem:s30+$0xB0] =	vst v3;
	v2 =	vadd.f32 v6, v2  }
0xbd: {  	[tilespmem:s30+$0xC0] =	vst v62;
	v1 =	vadd.f32 v7, v1  }
0xbe: {  	s28 =	sadd.s32 $0x1, s28;
	v63 =	vadd.f32 v8, v0;
	[tilespmem:s30+$0xD0] =	vst v2  }
0xbf: {  	s1 =	sshll.u32 s29, $0xF;
	p0 =	sne.s32 s28, $0x18;
	[tilespmem:s30+$0xE0] =	vst v1  }
.Ltmp2:
0xc0: {  	s1 =	sadd.s32 s1, s8;
	[tilespmem:s30+$0xFFFFFF00] =	vst v63;
	(pc) =	sbr.rel @p0 .LBB2_2-.Ltmp2, $4  }
0xc1: {  	[hbm4b:s1+s2] =	stream.linear.scatter [tilespmem:s22], [sflag:$0x3], $0x2000, $0x38;
	[tilespmem:$0x7200] =	vst v63  }
0xc2: {  	_ =	swait.ge [sflag:s17], $0x2000  }
0xc3: {  	[sflag:s17] =	ssyncset.done $0x0  }
0xc4: {  	[sflag:s17] =	ssyncadd.s32 $0xFFFFE000  }
0xc5: {  	[tilespmem:s22], [sflag:$0x2] =	stream.indirect.gather [hbm4b:s3+s19], $0x40, s25, s19, $0xb8;
	[tilespmem:$0x7200] =	vst v63  }
0xc6: {  	_ =	swait.ge [sflag:s23], $0x2000  }
0xc7: {  	[sflag:s23] =	ssyncset.done $0x0  }
0xc8: {  	[sflag:s23] =	ssyncadd.s32 $0xFFFFE000  }
0xc9: {  	v0 =	vld [tilespmem:$0x6500]  }
0xca: {  	v2 =	vld [tilespmem:$0x6510]  }
0xcb: {  	v1 =	vld [tilespmem:$0x6520]  }
0xcc: {  	s28 =	simm.s32 $0x1A00;
	v3 =	vld [tilespmem:$0x6530]  }
0xcd: {  	v4 =	vld [tilespmem:s28+$0xF0]  }
0xce: {  	v5 =	vld [tilespmem:s28+$0xFFFFFF10]  }
0xcf: {  	v6 =	vld [tilespmem:s28+$0xFFFFFF20]  }
0xd0: {  	v7 =	vld [tilespmem:s28+$0xFFFFFF30]  }
0xd1: {  	v8 =	vld [tilespmem:s28+$0xFFFFFF40]  }
0xd2: {  	v9 =	vld [tilespmem:s28+$0xFFFFFF50];
	v4 =	vadd.f32 v4, v3  }
0xd3: {  	v10 =	vld [tilespmem:s28+$0xFFFFFF60];
	v5 =	vadd.f32 v5, v2  }
0xd4: {  	v11 =	vld [tilespmem:s28+$0xFFFFFF70];
	v6 =	vadd.f32 v6, v1;
	[tilespmem:s28+$0xF0] =	vst v4  }
0xd5: {  	[tilespmem:s28+$0xFFFFFF10] =	vst v5;
	v4 =	vadd.f32 v7, v3;
	v5 =	vld [tilespmem:s28+$0xFFFFFF80]  }
0xd6: {  	[tilespmem:s28+$0xFFFFFF20] =	vst v6;
	v6 =	vadd.f32 v8, v0;
	v7 =	vld [tilespmem:s28+$0xFFFFFF90]  }
0xd7: {  	v8 =	vld [tilespmem:s28+$0xFFFFFFA0];
	[tilespmem:s28+$0xFFFFFF30] =	vst v4;
	v4 =	vadd.f32 v9, v2  }
0xd8: {  	[tilespmem:s28+$0xFFFFFF40] =	vst v6;
	v6 =	vadd.f32 v10, v1;
	v9 =	vld [tilespmem:s28+$0xFFFFFFB0]  }
0xd9: {  	v10 =	vld [tilespmem:s28+$0xFFFFFFC0];
	[tilespmem:s28+$0xFFFFFF50] =	vst v4;
	v4 =	vadd.f32 v11, v3  }
0xda: {  	[tilespmem:s28+$0xFFFFFF60] =	vst v6;
	v6 =	vld [tilespmem:s28+$0xFFFFFFD0];
	v5 =	vadd.f32 v5, v0  }
0xdb: {  	[tilespmem:s28+$0xFFFFFF70] =	vst v4;
	v4 =	vadd.f32 v7, v2;
	v7 =	vld [tilespmem:s28+$0xFFFFFFE0]  }
0xdc: {  	[tilespmem:s28+$0xFFFFFF80] =	vst v5;
	v5 =	vadd.f32 v8, v1;
	v8 =	vld [tilespmem:s28+$0xFFFFFFF0]  }
0xdd: {  	[tilespmem:s28+$0xFFFFFF90] =	vst v4;
	v4 =	vadd.f32 v9, v3;
	v9 =	vld [tilespmem:s28+$0x0]  }
0xde: {  	[tilespmem:s28+$0xFFFFFFA0] =	vst v5;
	v5 =	vadd.f32 v10, v0;
	v10 =	vld [tilespmem:s28+$0x10]  }
0xdf: {  	[tilespmem:s28+$0xFFFFFFB0] =	vst v4;
	v4 =	vadd.f32 v6, v2;
	v6 =	vld [tilespmem:s28+$0x20]  }
0xe0: {  	[tilespmem:s28+$0xFFFFFFC0] =	vst v5;
	v5 =	vadd.f32 v7, v1;
	v7 =	vld [tilespmem:s28+$0x30]  }
0xe1: {  	[tilespmem:s28+$0xFFFFFFD0] =	vst v4;
	v4 =	vadd.f32 v8, v3;
	v8 =	vld [tilespmem:s28+$0x40]  }
0xe2: {  	[tilespmem:s28+$0xFFFFFFE0] =	vst v5;
	v5 =	vadd.f32 v9, v0;
	v9 =	vld [tilespmem:s28+$0x50]  }
0xe3: {  	[tilespmem:s28+$0xFFFFFFF0] =	vst v4;
	v4 =	vadd.f32 v10, v2;
	v10 =	vld [tilespmem:s28+$0x60]  }
0xe4: {  	[tilespmem:s28+$0x0] =	vst v5;
	v5 =	vadd.f32 v6, v1;
	v6 =	vld [tilespmem:s28+$0x70]  }
0xe5: {  	[tilespmem:s28+$0x10] =	vst v4;
	v4 =	vadd.f32 v7, v3;
	v7 =	vld [tilespmem:s28+$0x80]  }
0xe6: {  	[tilespmem:s28+$0x20] =	vst v5;
	v5 =	vadd.f32 v8, v0;
	v8 =	vld [tilespmem:s28+$0x90]  }
0xe7: {  	v11 =	vld [tilespmem:s28+$0xA0];
	[tilespmem:s28+$0x30] =	vst v4;
	v9 =	vadd.f32 v9, v2  }
0xe8: {  	v4 =	vld [tilespmem:s28+$0xB0];
	[tilespmem:s28+$0x40] =	vst v5;
	v10 =	vadd.f32 v10, v1  }
0xe9: {  	v5 =	vld [tilespmem:s28+$0xC0];
	[tilespmem:s28+$0x50] =	vst v9;
	v9 =	vadd.f32 v6, v3  }
0xea: {  	v6 =	vld [tilespmem:s28+$0xD0];
	[tilespmem:s28+$0x60] =	vst v10;
	v10 =	vadd.f32 v7, v0  }
0xeb: {  	v7 =	vld [tilespmem:s28+$0xE0];
	[tilespmem:s28+$0x70] =	vst v9;
	v9 =	vadd.f32 v8, v2  }
0xec: {  	s29 =	simm.s32 $0x0;
	s1 =	simm.s32 $0x1C00;
	v8 =	vld [tilespmem:s28+$0xFFFFFF00];
	[tilespmem:s28+$0x80] =	vst v10;
	v10 =	vadd.f32 v11, v1  }
.LBB2_8:
0xed: {  	v11 =	vld [tilespmem:s1+$0xF0];
	s29 =	sadd.s32 $0x8, s29;
	[tilespmem:s28+$0x90] =	vst v9;
	v4 =	vadd.f32 v4, v3  }
0xee: {  	v9 =	vld [tilespmem:s1+$0xFFFFFF10];
	p0 =	slt.u32 s29, $0x78;
	[tilespmem:s28+$0xA0] =	vst v10;
	v5 =	vadd.f32 v5, v0  }
0xef: {  	v10 =	vld [tilespmem:s1+$0xFFFFFF20];
	[tilespmem:s28+$0xB0] =	vst v4;
	v4 =	vadd.f32 v6, v2  }
0xf0: {  	v6 =	vld [tilespmem:s1+$0xFFFFFF30];
	[tilespmem:s28+$0xC0] =	vst v5;
	v5 =	vadd.f32 v7, v1  }
0xf1: {  	v7 =	vld [tilespmem:s1+$0xFFFFFF40];
	v8 =	vadd.f32 v8, v0;
	[tilespmem:s28+$0xD0] =	vst v4  }
0xf2: {  	v4 =	vld [tilespmem:s1+$0xFFFFFF50];
	v11 =	vadd.f32 v11, v3;
	[tilespmem:s28+$0xE0] =	vst v5  }
0xf3: {  	v5 =	vadd.f32 v9, v2;
	v9 =	vld [tilespmem:s1+$0xFFFFFF60];
	[tilespmem:s28+$0xFFFFFF00] =	vst v8;
	s28 =	smov.u32 s1  }
0xf4: {  	v8 =	vadd.f32 v10, v1;
	v10 =	vld [tilespmem:s1+$0xFFFFFF70];
	[tilespmem:s1+$0xF0] =	vst v11  }
0xf5: {  	[tilespmem:s1+$0xFFFFFF10] =	vst v5;
	v5 =	vadd.f32 v6, v3;
	v6 =	vld [tilespmem:s1+$0xFFFFFF80]  }
0xf6: {  	[tilespmem:s1+$0xFFFFFF20] =	vst v8;
	v7 =	vadd.f32 v7, v0;
	v8 =	vld [tilespmem:s1+$0xFFFFFF90]  }
0xf7: {  	[tilespmem:s1+$0xFFFFFF30] =	vst v5;
	v4 =	vadd.f32 v4, v2;
	v5 =	vld [tilespmem:s1+$0xFFFFFFA0]  }
0xf8: {  	[tilespmem:s1+$0xFFFFFF40] =	vst v7;
	v7 =	vadd.f32 v9, v1;
	v9 =	vld [tilespmem:s1+$0xFFFFFFB0]  }
0xf9: {  	[tilespmem:s1+$0xFFFFFF50] =	vst v4;
	v4 =	vadd.f32 v10, v3;
	v10 =	vld [tilespmem:s1+$0xFFFFFFC0]  }
0xfa: {  	[tilespmem:s1+$0xFFFFFF60] =	vst v7;
	v6 =	vadd.f32 v6, v0;
	v7 =	vld [tilespmem:s1+$0xFFFFFFD0]  }
0xfb: {  	[tilespmem:s1+$0xFFFFFF70] =	vst v4;
	v4 =	vadd.f32 v8, v2;
	v8 =	vld [tilespmem:s1+$0xFFFFFFE0]  }
0xfc: {  	[tilespmem:s1+$0xFFFFFF80] =	vst v6;
	v5 =	vadd.f32 v5, v1;
	v6 =	vld [tilespmem:s1+$0xFFFFFFF0]  }
0xfd: {  	[tilespmem:s1+$0xFFFFFF90] =	vst v4;
	v4 =	vadd.f32 v9, v3;
	v9 =	vld [tilespmem:s1+$0x0]  }
0xfe: {  	[tilespmem:s1+$0xFFFFFFA0] =	vst v5;
	v5 =	vadd.f32 v10, v0;
	v10 =	vld [tilespmem:s1+$0x10]  }
0xff: {  	[tilespmem:s1+$0xFFFFFFB0] =	vst v4;
	v4 =	vadd.f32 v7, v2;
	v7 =	vld [tilespmem:s1+$0x20]  }
0x100: {  	[tilespmem:s1+$0xFFFFFFC0] =	vst v5;
	v5 =	vadd.f32 v8, v1;
	v8 =	vld [tilespmem:s1+$0x30]  }
0x101: {  	[tilespmem:s1+$0xFFFFFFD0] =	vst v4;
	v4 =	vadd.f32 v6, v3;
	v6 =	vld [tilespmem:s1+$0x40]  }
0x102: {  	[tilespmem:s1+$0xFFFFFFE0] =	vst v5;
	v5 =	vadd.f32 v9, v0;
	v9 =	vld [tilespmem:s1+$0x50]  }
0x103: {  	[tilespmem:s1+$0xFFFFFFF0] =	vst v4;
	v4 =	vadd.f32 v10, v2;
	v10 =	vld [tilespmem:s1+$0x60]  }
0x104: {  	[tilespmem:s1+$0x0] =	vst v5;
	v5 =	vadd.f32 v7, v1;
	v7 =	vld [tilespmem:s1+$0x70]  }
0x105: {  	[tilespmem:s1+$0x10] =	vst v4;
	v4 =	vadd.f32 v8, v3;
	v8 =	vld [tilespmem:s1+$0x80]  }
0x106: {  	[tilespmem:s1+$0x20] =	vst v5;
	v5 =	vadd.f32 v6, v0;
	v11 =	vld [tilespmem:s1+$0x90]  }
0x107: {  	[tilespmem:s1+$0x30] =	vst v4;
	v6 =	vadd.f32 v9, v2;
	v12 =	vld [tilespmem:s1+$0xA0]  }
.Ltmp3:
0x108: {  	[tilespmem:s1+$0x40] =	vst v5;
	v9 =	vadd.f32 v10, v1;
	v4 =	vld [tilespmem:s1+$0xB0];
	(pc) =	sbr.rel @p0 .LBB2_8-.Ltmp3, $4  }
0x109: {  	[tilespmem:s1+$0x50] =	vst v6;
	v7 =	vadd.f32 v7, v3;
	v5 =	vld [tilespmem:s1+$0xC0]  }
0x10a: {  	[tilespmem:s1+$0x60] =	vst v9;
	v10 =	vadd.f32 v8, v0;
	v6 =	vld [tilespmem:s1+$0xD0]  }
0x10b: {  	[tilespmem:s1+$0x70] =	vst v7;
	v9 =	vadd.f32 v11, v2;
	v7 =	vld [tilespmem:s1+$0xE0]  }
0x10c: {  	s1 =	sadd.s32 $0x200, s1;
	v8 =	vld [tilespmem:s28+$0xFFFFFF00];
	[tilespmem:s28+$0x80] =	vst v10;
	v10 =	vadd.f32 v12, v1  }
0x10d: {  	[tilespmem:s28+$0x90] =	vst v9;
	v3 =	vadd.f32 v4, v3  }
0x10e: {  	[tilespmem:s28+$0xA0] =	vst v10;
	v4 =	vadd.f32 v5, v0  }
0x10f: {  	[tilespmem:s28+$0xB0] =	vst v3;
	v2 =	vadd.f32 v6, v2  }
0x110: {  	[tilespmem:s28+$0xC0] =	vst v4;
	v1 =	vadd.f32 v7, v1  }
0x111: {  	v0 =	vadd.f32 v8, v0;
	[tilespmem:s28+$0xD0] =	vst v2  }
0x112: {  	[tilespmem:s28+$0xE0] =	vst v1  }
0x113: {  	[tilespmem:s28+$0xFFFFFF00] =	vst v0  }
0x114: {  	[hbm4b:s9+s2] =	stream.linear.scatter [tilespmem:s21], [sflag:$0x3], $0x2000, $0x38;
	[tilespmem:$0x7200] =	vst v63  }
0x115: {  	_ =	swait.ge [sflag:s17], $0x2000  }
0x116: {  	[sflag:s17] =	ssyncset.done $0x0  }
0x117: {  	[sflag:s17] =	ssyncadd.s32 $0xFFFFE000  }
0x118: {  	_ =	swait.ge [sflag:s24], $0x2000  }
0x119: {  	[sflag:s24] =	ssyncset.done $0x0  }
0x11a: {  	[sflag:s24] =	ssyncadd.s32 $0xFFFFE000  }
0x11b: {  	v0 =	vld [tilespmem:$0x6540]  }
0x11c: {  	v2 =	vld [tilespmem:$0x6550]  }
0x11d: {  	v1 =	vld [tilespmem:$0x6560]  }
0x11e: {  	s28 =	simm.s32 $0x3A00;
	v3 =	vld [tilespmem:$0x6570]  }
0x11f: {  	v4 =	vld [tilespmem:s28+$0xF0]  }
0x120: {  	v5 =	vld [tilespmem:s28+$0xFFFFFF10]  }
0x121: {  	v6 =	vld [tilespmem:s28+$0xFFFFFF20]  }
0x122: {  	v7 =	vld [tilespmem:s28+$0xFFFFFF30]  }
0x123: {  	v8 =	vld [tilespmem:s28+$0xFFFFFF40]  }
0x124: {  	v9 =	vld [tilespmem:s28+$0xFFFFFF50];
	v4 =	vadd.f32 v4, v3  }
0x125: {  	v10 =	vld [tilespmem:s28+$0xFFFFFF60];
	v5 =	vadd.f32 v5, v2  }
0x126: {  	v11 =	vld [tilespmem:s28+$0xFFFFFF70];
	v6 =	vadd.f32 v6, v1;
	[tilespmem:s28+$0xF0] =	vst v4  }
0x127: {  	[tilespmem:s28+$0xFFFFFF10] =	vst v5;
	v4 =	vadd.f32 v7, v3;
	v5 =	vld [tilespmem:s28+$0xFFFFFF80]  }
0x128: {  	[tilespmem:s28+$0xFFFFFF20] =	vst v6;
	v6 =	vadd.f32 v8, v0;
	v7 =	vld [tilespmem:s28+$0xFFFFFF90]  }
0x129: {  	v8 =	vld [tilespmem:s28+$0xFFFFFFA0];
	[tilespmem:s28+$0xFFFFFF30] =	vst v4;
	v4 =	vadd.f32 v9, v2  }
0x12a: {  	[tilespmem:s28+$0xFFFFFF40] =	vst v6;
	v6 =	vadd.f32 v10, v1;
	v9 =	vld [tilespmem:s28+$0xFFFFFFB0]  }
0x12b: {  	v10 =	vld [tilespmem:s28+$0xFFFFFFC0];
	[tilespmem:s28+$0xFFFFFF50] =	vst v4;
	v4 =	vadd.f32 v11, v3  }
0x12c: {  	[tilespmem:s28+$0xFFFFFF60] =	vst v6;
	v6 =	vld [tilespmem:s28+$0xFFFFFFD0];
	v5 =	vadd.f32 v5, v0  }
0x12d: {  	[tilespmem:s28+$0xFFFFFF70] =	vst v4;
	v4 =	vadd.f32 v7, v2;
	v7 =	vld [tilespmem:s28+$0xFFFFFFE0]  }
0x12e: {  	[tilespmem:s28+$0xFFFFFF80] =	vst v5;
	v5 =	vadd.f32 v8, v1;
	v8 =	vld [tilespmem:s28+$0xFFFFFFF0]  }
0x12f: {  	[tilespmem:s28+$0xFFFFFF90] =	vst v4;
	v4 =	vadd.f32 v9, v3;
	v9 =	vld [tilespmem:s28+$0x0]  }
0x130: {  	[tilespmem:s28+$0xFFFFFFA0] =	vst v5;
	v5 =	vadd.f32 v10, v0;
	v10 =	vld [tilespmem:s28+$0x10]  }
0x131: {  	[tilespmem:s28+$0xFFFFFFB0] =	vst v4;
	v4 =	vadd.f32 v6, v2;
	v6 =	vld [tilespmem:s28+$0x20]  }
0x132: {  	[tilespmem:s28+$0xFFFFFFC0] =	vst v5;
	v5 =	vadd.f32 v7, v1;
	v7 =	vld [tilespmem:s28+$0x30]  }
0x133: {  	[tilespmem:s28+$0xFFFFFFD0] =	vst v4;
	v4 =	vadd.f32 v8, v3;
	v8 =	vld [tilespmem:s28+$0x40]  }
0x134: {  	[tilespmem:s28+$0xFFFFFFE0] =	vst v5;
	v5 =	vadd.f32 v9, v0;
	v9 =	vld [tilespmem:s28+$0x50]  }
0x135: {  	[tilespmem:s28+$0xFFFFFFF0] =	vst v4;
	v4 =	vadd.f32 v10, v2;
	v10 =	vld [tilespmem:s28+$0x60]  }
0x136: {  	[tilespmem:s28+$0x0] =	vst v5;
	v5 =	vadd.f32 v6, v1;
	v6 =	vld [tilespmem:s28+$0x70]  }
0x137: {  	[tilespmem:s28+$0x10] =	vst v4;
	v4 =	vadd.f32 v7, v3;
	v7 =	vld [tilespmem:s28+$0x80]  }
0x138: {  	[tilespmem:s28+$0x20] =	vst v5;
	v5 =	vadd.f32 v8, v0;
	v8 =	vld [tilespmem:s28+$0x90]  }
0x139: {  	v11 =	vld [tilespmem:s28+$0xA0];
	[tilespmem:s28+$0x30] =	vst v4;
	v9 =	vadd.f32 v9, v2  }
0x13a: {  	v4 =	vld [tilespmem:s28+$0xB0];
	[tilespmem:s28+$0x40] =	vst v5;
	v10 =	vadd.f32 v10, v1  }
0x13b: {  	v5 =	vld [tilespmem:s28+$0xC0];
	[tilespmem:s28+$0x50] =	vst v9;
	v9 =	vadd.f32 v6, v3  }
0x13c: {  	v6 =	vld [tilespmem:s28+$0xD0];
	[tilespmem:s28+$0x60] =	vst v10;
	v10 =	vadd.f32 v7, v0  }
0x13d: {  	v7 =	vld [tilespmem:s28+$0xE0];
	[tilespmem:s28+$0x70] =	vst v9;
	v9 =	vadd.f32 v8, v2  }
0x13e: {  	s29 =	simm.s32 $0x0;
	s1 =	simm.s32 $0x3C00;
	v8 =	vld [tilespmem:s28+$0xFFFFFF00];
	[tilespmem:s28+$0x80] =	vst v10;
	v10 =	vadd.f32 v11, v1  }
.LBB2_10:
0x13f: {  	v11 =	vld [tilespmem:s1+$0xF0];
	s29 =	sadd.s32 $0x8, s29;
	[tilespmem:s28+$0x90] =	vst v9;
	v4 =	vadd.f32 v4, v3  }
0x140: {  	v9 =	vld [tilespmem:s1+$0xFFFFFF10];
	p0 =	slt.u32 s29, $0x78;
	[tilespmem:s28+$0xA0] =	vst v10;
	v5 =	vadd.f32 v5, v0  }
0x141: {  	v10 =	vld [tilespmem:s1+$0xFFFFFF20];
	[tilespmem:s28+$0xB0] =	vst v4;
	v4 =	vadd.f32 v6, v2  }
0x142: {  	v6 =	vld [tilespmem:s1+$0xFFFFFF30];
	[tilespmem:s28+$0xC0] =	vst v5;
	v5 =	vadd.f32 v7, v1  }
0x143: {  	v7 =	vld [tilespmem:s1+$0xFFFFFF40];
	v8 =	vadd.f32 v8, v0;
	[tilespmem:s28+$0xD0] =	vst v4  }
0x144: {  	v4 =	vld [tilespmem:s1+$0xFFFFFF50];
	v11 =	vadd.f32 v11, v3;
	[tilespmem:s28+$0xE0] =	vst v5  }
0x145: {  	v5 =	vadd.f32 v9, v2;
	v9 =	vld [tilespmem:s1+$0xFFFFFF60];
	[tilespmem:s28+$0xFFFFFF00] =	vst v8;
	s28 =	smov.u32 s1  }
0x146: {  	v8 =	vadd.f32 v10, v1;
	v10 =	vld [tilespmem:s1+$0xFFFFFF70];
	[tilespmem:s1+$0xF0] =	vst v11  }
0x147: {  	[tilespmem:s1+$0xFFFFFF10] =	vst v5;
	v5 =	vadd.f32 v6, v3;
	v6 =	vld [tilespmem:s1+$0xFFFFFF80]  }
0x148: {  	[tilespmem:s1+$0xFFFFFF20] =	vst v8;
	v7 =	vadd.f32 v7, v0;
	v8 =	vld [tilespmem:s1+$0xFFFFFF90]  }
0x149: {  	[tilespmem:s1+$0xFFFFFF30] =	vst v5;
	v4 =	vadd.f32 v4, v2;
	v5 =	vld [tilespmem:s1+$0xFFFFFFA0]  }
0x14a: {  	[tilespmem:s1+$0xFFFFFF40] =	vst v7;
	v7 =	vadd.f32 v9, v1;
	v9 =	vld [tilespmem:s1+$0xFFFFFFB0]  }
0x14b: {  	[tilespmem:s1+$0xFFFFFF50] =	vst v4;
	v4 =	vadd.f32 v10, v3;
	v10 =	vld [tilespmem:s1+$0xFFFFFFC0]  }
0x14c: {  	[tilespmem:s1+$0xFFFFFF60] =	vst v7;
	v6 =	vadd.f32 v6, v0;
	v7 =	vld [tilespmem:s1+$0xFFFFFFD0]  }
0x14d: {  	[tilespmem:s1+$0xFFFFFF70] =	vst v4;
	v4 =	vadd.f32 v8, v2;
	v8 =	vld [tilespmem:s1+$0xFFFFFFE0]  }
0x14e: {  	[tilespmem:s1+$0xFFFFFF80] =	vst v6;
	v5 =	vadd.f32 v5, v1;
	v6 =	vld [tilespmem:s1+$0xFFFFFFF0]  }
0x14f: {  	[tilespmem:s1+$0xFFFFFF90] =	vst v4;
	v4 =	vadd.f32 v9, v3;
	v9 =	vld [tilespmem:s1+$0x0]  }
0x150: {  	[tilespmem:s1+$0xFFFFFFA0] =	vst v5;
	v5 =	vadd.f32 v10, v0;
	v10 =	vld [tilespmem:s1+$0x10]  }
0x151: {  	[tilespmem:s1+$0xFFFFFFB0] =	vst v4;
	v4 =	vadd.f32 v7, v2;
	v7 =	vld [tilespmem:s1+$0x20]  }
0x152: {  	[tilespmem:s1+$0xFFFFFFC0] =	vst v5;
	v5 =	vadd.f32 v8, v1;
	v8 =	vld [tilespmem:s1+$0x30]  }
0x153: {  	[tilespmem:s1+$0xFFFFFFD0] =	vst v4;
	v4 =	vadd.f32 v6, v3;
	v6 =	vld [tilespmem:s1+$0x40]  }
0x154: {  	[tilespmem:s1+$0xFFFFFFE0] =	vst v5;
	v5 =	vadd.f32 v9, v0;
	v9 =	vld [tilespmem:s1+$0x50]  }
0x155: {  	[tilespmem:s1+$0xFFFFFFF0] =	vst v4;
	v4 =	vadd.f32 v10, v2;
	v10 =	vld [tilespmem:s1+$0x60]  }
0x156: {  	[tilespmem:s1+$0x0] =	vst v5;
	v5 =	vadd.f32 v7, v1;
	v7 =	vld [tilespmem:s1+$0x70]  }
0x157: {  	[tilespmem:s1+$0x10] =	vst v4;
	v4 =	vadd.f32 v8, v3;
	v8 =	vld [tilespmem:s1+$0x80]  }
0x158: {  	[tilespmem:s1+$0x20] =	vst v5;
	v5 =	vadd.f32 v6, v0;
	v11 =	vld [tilespmem:s1+$0x90]  }
0x159: {  	[tilespmem:s1+$0x30] =	vst v4;
	v6 =	vadd.f32 v9, v2;
	v12 =	vld [tilespmem:s1+$0xA0]  }
.Ltmp4:
0x15a: {  	[tilespmem:s1+$0x40] =	vst v5;
	v9 =	vadd.f32 v10, v1;
	v4 =	vld [tilespmem:s1+$0xB0];
	(pc) =	sbr.rel @p0 .LBB2_10-.Ltmp4, $4  }
0x15b: {  	[tilespmem:s1+$0x50] =	vst v6;
	v7 =	vadd.f32 v7, v3;
	v5 =	vld [tilespmem:s1+$0xC0]  }
0x15c: {  	[tilespmem:s1+$0x60] =	vst v9;
	v10 =	vadd.f32 v8, v0;
	v6 =	vld [tilespmem:s1+$0xD0]  }
0x15d: {  	[tilespmem:s1+$0x70] =	vst v7;
	v9 =	vadd.f32 v11, v2;
	v7 =	vld [tilespmem:s1+$0xE0]  }
0x15e: {  	s1 =	sadd.s32 $0x200, s1;
	v8 =	vld [tilespmem:s28+$0xFFFFFF00];
	[tilespmem:s28+$0x80] =	vst v10;
	v10 =	vadd.f32 v12, v1  }
0x15f: {  	[tilespmem:s28+$0x90] =	vst v9;
	v3 =	vadd.f32 v4, v3  }
0x160: {  	[tilespmem:s28+$0xA0] =	vst v10;
	v62 =	vadd.f32 v5, v0  }
0x161: {  	[tilespmem:s28+$0xB0] =	vst v3;
	v2 =	vadd.f32 v6, v2  }
0x162: {  	[tilespmem:s28+$0xC0] =	vst v62;
	v1 =	vadd.f32 v7, v1  }
0x163: {  	v63 =	vadd.f32 v8, v0;
	[tilespmem:s28+$0xD0] =	vst v2  }
0x164: {  	[tilespmem:s28+$0xE0] =	vst v1  }
0x165: {  	[tilespmem:s28+$0xFFFFFF00] =	vst v63;
	s28 =	simm.s32 $0x0  }
0x166: {  	[hbm4b:s10+s28] =	stream.linear.scatter [tilespmem:s22], [sflag:$0x3], $0x2000, $0x38;
	[tilespmem:$0x7200] =	vst v63  }
0x167: {  	_ =	swait.ge [sflag:s17], $0x2000  }
0x168: {  	[sflag:s17] =	ssyncset.done $0x0  }
0x169: {  	[sflag:s17] =	ssyncadd.s32 $0xFFFFE000  }
0x16a: {  	[tilespmem:s28], [sflag:$0x3] =	stream.strided.gather [hbm4b:s11+s19], $0x1900, s20, s19, $0x38;
	[tilespmem:$0x7200] =	vst v63  }
0x16b: {  	_ =	swait.ge [sflag:s17], $0x1900  }
0x16c: {  	[sflag:s17] =	ssyncset.done $0x0  }
0x16d: {  	[sflag:s17] =	ssyncadd.s32 $0xFFFFE700  }
0x16e: {  	[tilespmem:s21], [sflag:$0x1] =	stream.indirect.gather [hbm4b:s4+s19], $0x40, s28, s19, $0xb8;
	[tilespmem:$0x7200] =	vst v63  }
.LBB2_12:
0x16f: {  	s29 =	sshllo.u32 s28, $0x1  }
0x170: {  	s1 =	sshll.u32 s29, $0x7  }
0x171: {  	s1 =	sand.u32 $0x3FFFFF80, s1  }
0x172: {  	[tilespmem:s22], [sflag:$0x2] =	stream.indirect.gather [hbm4b:s4+s19], $0x40, s1, s19, $0xb8;
	[tilespmem:$0x7200] =	vst v63  }
0x173: {  	_ =	swait.ge [sflag:s23], $0x2000  }
0x174: {  	s1 =	sshll.u32 s28, $0x7;
	[sflag:s23] =	ssyncset.done $0x0  }
0x175: {  	s1 =	sand.u32 $0x3FFFFF80, s1;
	[sflag:s23] =	ssyncadd.s32 $0xFFFFE000  }
0x176: {  	v0 =	vld [tilespmem:s1+$0x6580]  }
0x177: {  	v2 =	vld [tilespmem:s1+$0x6590]  }
0x178: {  	v1 =	vld [tilespmem:s1+$0x65A0]  }
0x179: {  	s30 =	simm.s32 $0x1A00;
	v3 =	vld [tilespmem:s1+$0x65B0]  }
0x17a: {  	v4 =	vld [tilespmem:s30+$0xF0]  }
0x17b: {  	v5 =	vld [tilespmem:s30+$0xFFFFFF10]  }
0x17c: {  	v6 =	vld [tilespmem:s30+$0xFFFFFF20]  }
0x17d: {  	v7 =	vld [tilespmem:s30+$0xFFFFFF30]  }
0x17e: {  	v8 =	vld [tilespmem:s30+$0xFFFFFF40]  }
0x17f: {  	v9 =	vld [tilespmem:s30+$0xFFFFFF50];
	v4 =	vadd.f32 v4, v3  }
0x180: {  	v10 =	vld [tilespmem:s30+$0xFFFFFF60];
	v5 =	vadd.f32 v5, v2  }
0x181: {  	v11 =	vld [tilespmem:s30+$0xFFFFFF70];
	v6 =	vadd.f32 v6, v1;
	[tilespmem:s30+$0xF0] =	vst v4  }
0x182: {  	[tilespmem:s30+$0xFFFFFF10] =	vst v5;
	v4 =	vadd.f32 v7, v3;
	v5 =	vld [tilespmem:s30+$0xFFFFFF80]  }
0x183: {  	[tilespmem:s30+$0xFFFFFF20] =	vst v6;
	v6 =	vadd.f32 v8, v0;
	v7 =	vld [tilespmem:s30+$0xFFFFFF90]  }
0x184: {  	v8 =	vld [tilespmem:s30+$0xFFFFFFA0];
	[tilespmem:s30+$0xFFFFFF30] =	vst v4;
	v4 =	vadd.f32 v9, v2  }
0x185: {  	[tilespmem:s30+$0xFFFFFF40] =	vst v6;
	v6 =	vadd.f32 v10, v1;
	v9 =	vld [tilespmem:s30+$0xFFFFFFB0]  }
0x186: {  	v10 =	vld [tilespmem:s30+$0xFFFFFFC0];
	[tilespmem:s30+$0xFFFFFF50] =	vst v4;
	v4 =	vadd.f32 v11, v3  }
0x187: {  	[tilespmem:s30+$0xFFFFFF60] =	vst v6;
	v6 =	vld [tilespmem:s30+$0xFFFFFFD0];
	v5 =	vadd.f32 v5, v0  }
0x188: {  	[tilespmem:s30+$0xFFFFFF70] =	vst v4;
	v4 =	vadd.f32 v7, v2;
	v7 =	vld [tilespmem:s30+$0xFFFFFFE0]  }
0x189: {  	[tilespmem:s30+$0xFFFFFF80] =	vst v5;
	v5 =	vadd.f32 v8, v1;
	v8 =	vld [tilespmem:s30+$0xFFFFFFF0]  }
0x18a: {  	[tilespmem:s30+$0xFFFFFF90] =	vst v4;
	v4 =	vadd.f32 v9, v3;
	v9 =	vld [tilespmem:s30+$0x0]  }
0x18b: {  	[tilespmem:s30+$0xFFFFFFA0] =	vst v5;
	v5 =	vadd.f32 v10, v0;
	v10 =	vld [tilespmem:s30+$0x10]  }
0x18c: {  	[tilespmem:s30+$0xFFFFFFB0] =	vst v4;
	v4 =	vadd.f32 v6, v2;
	v6 =	vld [tilespmem:s30+$0x20]  }
0x18d: {  	[tilespmem:s30+$0xFFFFFFC0] =	vst v5;
	v5 =	vadd.f32 v7, v1;
	v7 =	vld [tilespmem:s30+$0x30]  }
0x18e: {  	[tilespmem:s30+$0xFFFFFFD0] =	vst v4;
	v4 =	vadd.f32 v8, v3;
	v8 =	vld [tilespmem:s30+$0x40]  }
0x18f: {  	[tilespmem:s30+$0xFFFFFFE0] =	vst v5;
	v5 =	vadd.f32 v9, v0;
	v9 =	vld [tilespmem:s30+$0x50]  }
0x190: {  	[tilespmem:s30+$0xFFFFFFF0] =	vst v4;
	v4 =	vadd.f32 v10, v2;
	v10 =	vld [tilespmem:s30+$0x60]  }
0x191: {  	[tilespmem:s30+$0x0] =	vst v5;
	v5 =	vadd.f32 v6, v1;
	v6 =	vld [tilespmem:s30+$0x70]  }
0x192: {  	[tilespmem:s30+$0x10] =	vst v4;
	v4 =	vadd.f32 v7, v3;
	v7 =	vld [tilespmem:s30+$0x80]  }
0x193: {  	[tilespmem:s30+$0x20] =	vst v5;
	v5 =	vadd.f32 v8, v0;
	v8 =	vld [tilespmem:s30+$0x90]  }
0x194: {  	v11 =	vld [tilespmem:s30+$0xA0];
	[tilespmem:s30+$0x30] =	vst v4;
	v9 =	vadd.f32 v9, v2  }
0x195: {  	v4 =	vld [tilespmem:s30+$0xB0];
	[tilespmem:s30+$0x40] =	vst v5;
	v10 =	vadd.f32 v10, v1  }
0x196: {  	v5 =	vld [tilespmem:s30+$0xC0];
	[tilespmem:s30+$0x50] =	vst v9;
	v9 =	vadd.f32 v6, v3  }
0x197: {  	v6 =	vld [tilespmem:s30+$0xD0];
	[tilespmem:s30+$0x60] =	vst v10;
	v10 =	vadd.f32 v7, v0  }
0x198: {  	v7 =	vld [tilespmem:s30+$0xE0];
	[tilespmem:s30+$0x70] =	vst v9;
	v9 =	vadd.f32 v8, v2  }
0x199: {  	s31 =	simm.s32 $0x0;
	s1 =	simm.s32 $0x1C00;
	v8 =	vld [tilespmem:s30+$0xFFFFFF00];
	[tilespmem:s30+$0x80] =	vst v10;
	v10 =	vadd.f32 v11, v1  }
.LBB2_13:
0x19a: {  	v11 =	vld [tilespmem:s1+$0xF0];
	s31 =	sadd.s32 $0x8, s31;
	[tilespmem:s30+$0x90] =	vst v9;
	v4 =	vadd.f32 v4, v3  }
0x19b: {  	v9 =	vld [tilespmem:s1+$0xFFFFFF10];
	p0 =	slt.u32 s31, $0x78;
	[tilespmem:s30+$0xA0] =	vst v10;
	v5 =	vadd.f32 v5, v0  }
0x19c: {  	v10 =	vld [tilespmem:s1+$0xFFFFFF20];
	[tilespmem:s30+$0xB0] =	vst v4;
	v4 =	vadd.f32 v6, v2  }
0x19d: {  	v6 =	vld [tilespmem:s1+$0xFFFFFF30];
	[tilespmem:s30+$0xC0] =	vst v5;
	v5 =	vadd.f32 v7, v1  }
0x19e: {  	v7 =	vld [tilespmem:s1+$0xFFFFFF40];
	v8 =	vadd.f32 v8, v0;
	[tilespmem:s30+$0xD0] =	vst v4  }
0x19f: {  	v4 =	vld [tilespmem:s1+$0xFFFFFF50];
	v11 =	vadd.f32 v11, v3;
	[tilespmem:s30+$0xE0] =	vst v5  }
0x1a0: {  	v5 =	vadd.f32 v9, v2;
	v9 =	vld [tilespmem:s1+$0xFFFFFF60];
	[tilespmem:s30+$0xFFFFFF00] =	vst v8;
	s30 =	smov.u32 s1  }
0x1a1: {  	v8 =	vadd.f32 v10, v1;
	v10 =	vld [tilespmem:s1+$0xFFFFFF70];
	[tilespmem:s1+$0xF0] =	vst v11  }
0x1a2: {  	[tilespmem:s1+$0xFFFFFF10] =	vst v5;
	v5 =	vadd.f32 v6, v3;
	v6 =	vld [tilespmem:s1+$0xFFFFFF80]  }
0x1a3: {  	[tilespmem:s1+$0xFFFFFF20] =	vst v8;
	v7 =	vadd.f32 v7, v0;
	v8 =	vld [tilespmem:s1+$0xFFFFFF90]  }
0x1a4: {  	[tilespmem:s1+$0xFFFFFF30] =	vst v5;
	v4 =	vadd.f32 v4, v2;
	v5 =	vld [tilespmem:s1+$0xFFFFFFA0]  }
0x1a5: {  	[tilespmem:s1+$0xFFFFFF40] =	vst v7;
	v7 =	vadd.f32 v9, v1;
	v9 =	vld [tilespmem:s1+$0xFFFFFFB0]  }
0x1a6: {  	[tilespmem:s1+$0xFFFFFF50] =	vst v4;
	v4 =	vadd.f32 v10, v3;
	v10 =	vld [tilespmem:s1+$0xFFFFFFC0]  }
0x1a7: {  	[tilespmem:s1+$0xFFFFFF60] =	vst v7;
	v6 =	vadd.f32 v6, v0;
	v7 =	vld [tilespmem:s1+$0xFFFFFFD0]  }
0x1a8: {  	[tilespmem:s1+$0xFFFFFF70] =	vst v4;
	v4 =	vadd.f32 v8, v2;
	v8 =	vld [tilespmem:s1+$0xFFFFFFE0]  }
0x1a9: {  	[tilespmem:s1+$0xFFFFFF80] =	vst v6;
	v5 =	vadd.f32 v5, v1;
	v6 =	vld [tilespmem:s1+$0xFFFFFFF0]  }
0x1aa: {  	[tilespmem:s1+$0xFFFFFF90] =	vst v4;
	v4 =	vadd.f32 v9, v3;
	v9 =	vld [tilespmem:s1+$0x0]  }
0x1ab: {  	[tilespmem:s1+$0xFFFFFFA0] =	vst v5;
	v5 =	vadd.f32 v10, v0;
	v10 =	vld [tilespmem:s1+$0x10]  }
0x1ac: {  	[tilespmem:s1+$0xFFFFFFB0] =	vst v4;
	v4 =	vadd.f32 v7, v2;
	v7 =	vld [tilespmem:s1+$0x20]  }
0x1ad: {  	[tilespmem:s1+$0xFFFFFFC0] =	vst v5;
	v5 =	vadd.f32 v8, v1;
	v8 =	vld [tilespmem:s1+$0x30]  }
0x1ae: {  	[tilespmem:s1+$0xFFFFFFD0] =	vst v4;
	v4 =	vadd.f32 v6, v3;
	v6 =	vld [tilespmem:s1+$0x40]  }
0x1af: {  	[tilespmem:s1+$0xFFFFFFE0] =	vst v5;
	v5 =	vadd.f32 v9, v0;
	v9 =	vld [tilespmem:s1+$0x50]  }
0x1b0: {  	[tilespmem:s1+$0xFFFFFFF0] =	vst v4;
	v4 =	vadd.f32 v10, v2;
	v10 =	vld [tilespmem:s1+$0x60]  }
0x1b1: {  	[tilespmem:s1+$0x0] =	vst v5;
	v5 =	vadd.f32 v7, v1;
	v7 =	vld [tilespmem:s1+$0x70]  }
0x1b2: {  	[tilespmem:s1+$0x10] =	vst v4;
	v4 =	vadd.f32 v8, v3;
	v8 =	vld [tilespmem:s1+$0x80]  }
0x1b3: {  	[tilespmem:s1+$0x20] =	vst v5;
	v5 =	vadd.f32 v6, v0;
	v11 =	vld [tilespmem:s1+$0x90]  }
0x1b4: {  	[tilespmem:s1+$0x30] =	vst v4;
	v6 =	vadd.f32 v9, v2;
	v12 =	vld [tilespmem:s1+$0xA0]  }
.Ltmp5:
0x1b5: {  	[tilespmem:s1+$0x40] =	vst v5;
	v9 =	vadd.f32 v10, v1;
	v4 =	vld [tilespmem:s1+$0xB0];
	(pc) =	sbr.rel @p0 .LBB2_13-.Ltmp5, $4  }
0x1b6: {  	[tilespmem:s1+$0x50] =	vst v6;
	v7 =	vadd.f32 v7, v3;
	v5 =	vld [tilespmem:s1+$0xC0]  }
0x1b7: {  	[tilespmem:s1+$0x60] =	vst v9;
	v10 =	vadd.f32 v8, v0;
	v6 =	vld [tilespmem:s1+$0xD0]  }
0x1b8: {  	[tilespmem:s1+$0x70] =	vst v7;
	v9 =	vadd.f32 v11, v2;
	v7 =	vld [tilespmem:s1+$0xE0]  }
0x1b9: {  	s1 =	sadd.s32 $0x200, s1;
	v8 =	vld [tilespmem:s30+$0xFFFFFF00];
	[tilespmem:s30+$0x80] =	vst v10;
	v10 =	vadd.f32 v12, v1  }
0x1ba: {  	[tilespmem:s30+$0x90] =	vst v9;
	v3 =	vadd.f32 v4, v3  }
0x1bb: {  	[tilespmem:s30+$0xA0] =	vst v10;
	v4 =	vadd.f32 v5, v0  }
0x1bc: {  	[tilespmem:s30+$0xB0] =	vst v3;
	v2 =	vadd.f32 v6, v2  }
0x1bd: {  	[tilespmem:s30+$0xC0] =	vst v4;
	v1 =	vadd.f32 v7, v1  }
0x1be: {  	v0 =	vadd.f32 v8, v0;
	[tilespmem:s30+$0xD0] =	vst v2  }
0x1bf: {  	s1 =	sshll.u32 s28, $0x10;
	[tilespmem:s30+$0xE0] =	vst v1  }
0x1c0: {  	s1 =	sadd.s32 s15, s1;
	[tilespmem:s30+$0xFFFFFF00] =	vst v0  }
0x1c1: {  	[hbm4b:s1+s2] =	stream.linear.scatter [tilespmem:s21], [sflag:$0x3], $0x2000, $0x38;
	[tilespmem:$0x7200] =	vst v63  }
0x1c2: {  	s1 =	sshll.u32 s28, $0x8;
	_ =	swait.ge [sflag:s17], $0x2000  }
0x1c3: {  	s1 =	sand.u32 $0x3FFFFF00, s1;
	[sflag:s17] =	ssyncset.done $0x0  }
0x1c4: {  	s1 =	sadd.s32 $0x100, s1;
	[sflag:s17] =	ssyncadd.s32 $0xFFFFE000  }
0x1c5: {  	[tilespmem:s21], [sflag:$0x1] =	stream.indirect.gather [hbm4b:s4+s19], $0x40, s1, s19, $0xb8;
	[tilespmem:$0x7200] =	vst v63  }
0x1c6: {  	_ =	swait.ge [sflag:s24], $0x2000  }
0x1c7: {  	s1 =	sshll.u32 s29, $0x6;
	[sflag:s24] =	ssyncset.done $0x0  }
0x1c8: {  	s1 =	sand.u32 $0x3FFFFFC0, s1;
	[sflag:s24] =	ssyncadd.s32 $0xFFFFE000  }
0x1c9: {  	v0 =	vld [tilespmem:s1+$0x6580]  }
0x1ca: {  	v2 =	vld [tilespmem:s1+$0x6590]  }
0x1cb: {  	v1 =	vld [tilespmem:s1+$0x65A0]  }
0x1cc: {  	s30 =	simm.s32 $0x3A00;
	v3 =	vld [tilespmem:s1+$0x65B0]  }
0x1cd: {  	v4 =	vld [tilespmem:s30+$0xF0]  }
0x1ce: {  	v5 =	vld [tilespmem:s30+$0xFFFFFF10]  }
0x1cf: {  	v6 =	vld [tilespmem:s30+$0xFFFFFF20]  }
0x1d0: {  	v7 =	vld [tilespmem:s30+$0xFFFFFF30]  }
0x1d1: {  	v8 =	vld [tilespmem:s30+$0xFFFFFF40]  }
0x1d2: {  	v9 =	vld [tilespmem:s30+$0xFFFFFF50];
	v4 =	vadd.f32 v4, v3  }
0x1d3: {  	v10 =	vld [tilespmem:s30+$0xFFFFFF60];
	v5 =	vadd.f32 v5, v2  }
0x1d4: {  	v11 =	vld [tilespmem:s30+$0xFFFFFF70];
	v6 =	vadd.f32 v6, v1;
	[tilespmem:s30+$0xF0] =	vst v4  }
0x1d5: {  	[tilespmem:s30+$0xFFFFFF10] =	vst v5;
	v4 =	vadd.f32 v7, v3;
	v5 =	vld [tilespmem:s30+$0xFFFFFF80]  }
0x1d6: {  	[tilespmem:s30+$0xFFFFFF20] =	vst v6;
	v6 =	vadd.f32 v8, v0;
	v7 =	vld [tilespmem:s30+$0xFFFFFF90]  }
0x1d7: {  	v8 =	vld [tilespmem:s30+$0xFFFFFFA0];
	[tilespmem:s30+$0xFFFFFF30] =	vst v4;
	v4 =	vadd.f32 v9, v2  }
0x1d8: {  	[tilespmem:s30+$0xFFFFFF40] =	vst v6;
	v6 =	vadd.f32 v10, v1;
	v9 =	vld [tilespmem:s30+$0xFFFFFFB0]  }
0x1d9: {  	v10 =	vld [tilespmem:s30+$0xFFFFFFC0];
	[tilespmem:s30+$0xFFFFFF50] =	vst v4;
	v4 =	vadd.f32 v11, v3  }
0x1da: {  	[tilespmem:s30+$0xFFFFFF60] =	vst v6;
	v6 =	vld [tilespmem:s30+$0xFFFFFFD0];
	v5 =	vadd.f32 v5, v0  }
0x1db: {  	[tilespmem:s30+$0xFFFFFF70] =	vst v4;
	v4 =	vadd.f32 v7, v2;
	v7 =	vld [tilespmem:s30+$0xFFFFFFE0]  }
0x1dc: {  	[tilespmem:s30+$0xFFFFFF80] =	vst v5;
	v5 =	vadd.f32 v8, v1;
	v8 =	vld [tilespmem:s30+$0xFFFFFFF0]  }
0x1dd: {  	[tilespmem:s30+$0xFFFFFF90] =	vst v4;
	v4 =	vadd.f32 v9, v3;
	v9 =	vld [tilespmem:s30+$0x0]  }
0x1de: {  	[tilespmem:s30+$0xFFFFFFA0] =	vst v5;
	v5 =	vadd.f32 v10, v0;
	v10 =	vld [tilespmem:s30+$0x10]  }
0x1df: {  	[tilespmem:s30+$0xFFFFFFB0] =	vst v4;
	v4 =	vadd.f32 v6, v2;
	v6 =	vld [tilespmem:s30+$0x20]  }
0x1e0: {  	[tilespmem:s30+$0xFFFFFFC0] =	vst v5;
	v5 =	vadd.f32 v7, v1;
	v7 =	vld [tilespmem:s30+$0x30]  }
0x1e1: {  	[tilespmem:s30+$0xFFFFFFD0] =	vst v4;
	v4 =	vadd.f32 v8, v3;
	v8 =	vld [tilespmem:s30+$0x40]  }
0x1e2: {  	[tilespmem:s30+$0xFFFFFFE0] =	vst v5;
	v5 =	vadd.f32 v9, v0;
	v9 =	vld [tilespmem:s30+$0x50]  }
0x1e3: {  	[tilespmem:s30+$0xFFFFFFF0] =	vst v4;
	v4 =	vadd.f32 v10, v2;
	v10 =	vld [tilespmem:s30+$0x60]  }
0x1e4: {  	[tilespmem:s30+$0x0] =	vst v5;
	v5 =	vadd.f32 v6, v1;
	v6 =	vld [tilespmem:s30+$0x70]  }
0x1e5: {  	[tilespmem:s30+$0x10] =	vst v4;
	v4 =	vadd.f32 v7, v3;
	v7 =	vld [tilespmem:s30+$0x80]  }
0x1e6: {  	[tilespmem:s30+$0x20] =	vst v5;
	v5 =	vadd.f32 v8, v0;
	v8 =	vld [tilespmem:s30+$0x90]  }
0x1e7: {  	v11 =	vld [tilespmem:s30+$0xA0];
	[tilespmem:s30+$0x30] =	vst v4;
	v9 =	vadd.f32 v9, v2  }
0x1e8: {  	v4 =	vld [tilespmem:s30+$0xB0];
	[tilespmem:s30+$0x40] =	vst v5;
	v10 =	vadd.f32 v10, v1  }
0x1e9: {  	v5 =	vld [tilespmem:s30+$0xC0];
	[tilespmem:s30+$0x50] =	vst v9;
	v9 =	vadd.f32 v6, v3  }
0x1ea: {  	v6 =	vld [tilespmem:s30+$0xD0];
	[tilespmem:s30+$0x60] =	vst v10;
	v10 =	vadd.f32 v7, v0  }
0x1eb: {  	v7 =	vld [tilespmem:s30+$0xE0];
	[tilespmem:s30+$0x70] =	vst v9;
	v9 =	vadd.f32 v8, v2  }
0x1ec: {  	s31 =	simm.s32 $0x0;
	s1 =	simm.s32 $0x3C00;
	v8 =	vld [tilespmem:s30+$0xFFFFFF00];
	[tilespmem:s30+$0x80] =	vst v10;
	v10 =	vadd.f32 v11, v1  }
.LBB2_15:
0x1ed: {  	v11 =	vld [tilespmem:s1+$0xF0];
	s31 =	sadd.s32 $0x8, s31;
	[tilespmem:s30+$0x90] =	vst v9;
	v4 =	vadd.f32 v4, v3  }
0x1ee: {  	v9 =	vld [tilespmem:s1+$0xFFFFFF10];
	p0 =	slt.u32 s31, $0x78;
	[tilespmem:s30+$0xA0] =	vst v10;
	v5 =	vadd.f32 v5, v0  }
0x1ef: {  	v10 =	vld [tilespmem:s1+$0xFFFFFF20];
	[tilespmem:s30+$0xB0] =	vst v4;
	v4 =	vadd.f32 v6, v2  }
0x1f0: {  	v6 =	vld [tilespmem:s1+$0xFFFFFF30];
	[tilespmem:s30+$0xC0] =	vst v5;
	v5 =	vadd.f32 v7, v1  }
0x1f1: {  	v7 =	vld [tilespmem:s1+$0xFFFFFF40];
	v8 =	vadd.f32 v8, v0;
	[tilespmem:s30+$0xD0] =	vst v4  }
0x1f2: {  	v4 =	vld [tilespmem:s1+$0xFFFFFF50];
	v11 =	vadd.f32 v11, v3;
	[tilespmem:s30+$0xE0] =	vst v5  }
0x1f3: {  	v5 =	vadd.f32 v9, v2;
	v9 =	vld [tilespmem:s1+$0xFFFFFF60];
	[tilespmem:s30+$0xFFFFFF00] =	vst v8;
	s30 =	smov.u32 s1  }
0x1f4: {  	v8 =	vadd.f32 v10, v1;
	v10 =	vld [tilespmem:s1+$0xFFFFFF70];
	[tilespmem:s1+$0xF0] =	vst v11  }
0x1f5: {  	[tilespmem:s1+$0xFFFFFF10] =	vst v5;
	v5 =	vadd.f32 v6, v3;
	v6 =	vld [tilespmem:s1+$0xFFFFFF80]  }
0x1f6: {  	[tilespmem:s1+$0xFFFFFF20] =	vst v8;
	v7 =	vadd.f32 v7, v0;
	v8 =	vld [tilespmem:s1+$0xFFFFFF90]  }
0x1f7: {  	[tilespmem:s1+$0xFFFFFF30] =	vst v5;
	v4 =	vadd.f32 v4, v2;
	v5 =	vld [tilespmem:s1+$0xFFFFFFA0]  }
0x1f8: {  	[tilespmem:s1+$0xFFFFFF40] =	vst v7;
	v7 =	vadd.f32 v9, v1;
	v9 =	vld [tilespmem:s1+$0xFFFFFFB0]  }
0x1f9: {  	[tilespmem:s1+$0xFFFFFF50] =	vst v4;
	v4 =	vadd.f32 v10, v3;
	v10 =	vld [tilespmem:s1+$0xFFFFFFC0]  }
0x1fa: {  	[tilespmem:s1+$0xFFFFFF60] =	vst v7;
	v6 =	vadd.f32 v6, v0;
	v7 =	vld [tilespmem:s1+$0xFFFFFFD0]  }
0x1fb: {  	[tilespmem:s1+$0xFFFFFF70] =	vst v4;
	v4 =	vadd.f32 v8, v2;
	v8 =	vld [tilespmem:s1+$0xFFFFFFE0]  }
0x1fc: {  	[tilespmem:s1+$0xFFFFFF80] =	vst v6;
	v5 =	vadd.f32 v5, v1;
	v6 =	vld [tilespmem:s1+$0xFFFFFFF0]  }
0x1fd: {  	[tilespmem:s1+$0xFFFFFF90] =	vst v4;
	v4 =	vadd.f32 v9, v3;
	v9 =	vld [tilespmem:s1+$0x0]  }
0x1fe: {  	[tilespmem:s1+$0xFFFFFFA0] =	vst v5;
	v5 =	vadd.f32 v10, v0;
	v10 =	vld [tilespmem:s1+$0x10]  }
0x1ff: {  	[tilespmem:s1+$0xFFFFFFB0] =	vst v4;
	v4 =	vadd.f32 v7, v2;
	v7 =	vld [tilespmem:s1+$0x20]  }
0x200: {  	[tilespmem:s1+$0xFFFFFFC0] =	vst v5;
	v5 =	vadd.f32 v8, v1;
	v8 =	vld [tilespmem:s1+$0x30]  }
0x201: {  	[tilespmem:s1+$0xFFFFFFD0] =	vst v4;
	v4 =	vadd.f32 v6, v3;
	v6 =	vld [tilespmem:s1+$0x40]  }
0x202: {  	[tilespmem:s1+$0xFFFFFFE0] =	vst v5;
	v5 =	vadd.f32 v9, v0;
	v9 =	vld [tilespmem:s1+$0x50]  }
0x203: {  	[tilespmem:s1+$0xFFFFFFF0] =	vst v4;
	v4 =	vadd.f32 v10, v2;
	v10 =	vld [tilespmem:s1+$0x60]  }
0x204: {  	[tilespmem:s1+$0x0] =	vst v5;
	v5 =	vadd.f32 v7, v1;
	v7 =	vld [tilespmem:s1+$0x70]  }
0x205: {  	[tilespmem:s1+$0x10] =	vst v4;
	v4 =	vadd.f32 v8, v3;
	v8 =	vld [tilespmem:s1+$0x80]  }
0x206: {  	[tilespmem:s1+$0x20] =	vst v5;
	v5 =	vadd.f32 v6, v0;
	v11 =	vld [tilespmem:s1+$0x90]  }
0x207: {  	[tilespmem:s1+$0x30] =	vst v4;
	v6 =	vadd.f32 v9, v2;
	v12 =	vld [tilespmem:s1+$0xA0]  }
.Ltmp6:
0x208: {  	[tilespmem:s1+$0x40] =	vst v5;
	v9 =	vadd.f32 v10, v1;
	v4 =	vld [tilespmem:s1+$0xB0];
	(pc) =	sbr.rel @p0 .LBB2_15-.Ltmp6, $4  }
0x209: {  	[tilespmem:s1+$0x50] =	vst v6;
	v7 =	vadd.f32 v7, v3;
	v5 =	vld [tilespmem:s1+$0xC0]  }
0x20a: {  	[tilespmem:s1+$0x60] =	vst v9;
	v10 =	vadd.f32 v8, v0;
	v6 =	vld [tilespmem:s1+$0xD0]  }
0x20b: {  	[tilespmem:s1+$0x70] =	vst v7;
	v9 =	vadd.f32 v11, v2;
	v7 =	vld [tilespmem:s1+$0xE0]  }
0x20c: {  	s1 =	sadd.s32 $0x200, s1;
	v8 =	vld [tilespmem:s30+$0xFFFFFF00];
	[tilespmem:s30+$0x80] =	vst v10;
	v10 =	vadd.f32 v12, v1  }
0x20d: {  	[tilespmem:s30+$0x90] =	vst v9;
	v3 =	vadd.f32 v4, v3  }
0x20e: {  	[tilespmem:s30+$0xA0] =	vst v10;
	v62 =	vadd.f32 v5, v0  }
0x20f: {  	[tilespmem:s30+$0xB0] =	vst v3;
	v2 =	vadd.f32 v6, v2  }
0x210: {  	[tilespmem:s30+$0xC0] =	vst v62;
	v1 =	vadd.f32 v7, v1  }
0x211: {  	s28 =	sadd.s32 $0x1, s28;
	v63 =	vadd.f32 v8, v0;
	[tilespmem:s30+$0xD0] =	vst v2  }
0x212: {  	s1 =	sshll.u32 s29, $0xF;
	p0 =	sne.s32 s28, $0x18;
	[tilespmem:s30+$0xE0] =	vst v1  }
.Ltmp7:
0x213: {  	s1 =	sadd.s32 s15, s1;
	[tilespmem:s30+$0xFFFFFF00] =	vst v63;
	(pc) =	sbr.rel @p0 .LBB2_12-.Ltmp7, $4  }
0x214: {  	[hbm4b:s1+s2] =	stream.linear.scatter [tilespmem:s22], [sflag:$0x3], $0x2000, $0x38;
	[tilespmem:$0x7200] =	vst v63  }
0x215: {  	_ =	swait.ge [sflag:s17], $0x2000  }
0x216: {  	[sflag:s17] =	ssyncset.done $0x0  }
0x217: {  	[sflag:s17] =	ssyncadd.s32 $0xFFFFE000  }
0x218: {  	[tilespmem:s22], [sflag:$0x2] =	stream.indirect.gather [hbm4b:s4+s19], $0x40, s25, s19, $0xb8;
	[tilespmem:$0x7200] =	vst v63  }
0x219: {  	_ =	swait.ge [sflag:s23], $0x2000  }
0x21a: {  	[sflag:s23] =	ssyncset.done $0x0  }
0x21b: {  	[sflag:s23] =	ssyncadd.s32 $0xFFFFE000  }
0x21c: {  	v0 =	vld [tilespmem:$0x7180]  }
0x21d: {  	v2 =	vld [tilespmem:$0x7190]  }
0x21e: {  	v1 =	vld [tilespmem:$0x71A0]  }
0x21f: {  	s28 =	simm.s32 $0x1A00;
	v3 =	vld [tilespmem:$0x71B0]  }
0x220: {  	v4 =	vld [tilespmem:s28+$0xF0]  }
0x221: {  	v5 =	vld [tilespmem:s28+$0xFFFFFF10]  }
0x222: {  	v6 =	vld [tilespmem:s28+$0xFFFFFF20]  }
0x223: {  	v7 =	vld [tilespmem:s28+$0xFFFFFF30]  }
0x224: {  	v8 =	vld [tilespmem:s28+$0xFFFFFF40]  }
0x225: {  	v9 =	vld [tilespmem:s28+$0xFFFFFF50];
	v4 =	vadd.f32 v4, v3  }
0x226: {  	v10 =	vld [tilespmem:s28+$0xFFFFFF60];
	v5 =	vadd.f32 v5, v2  }
0x227: {  	v11 =	vld [tilespmem:s28+$0xFFFFFF70];
	v6 =	vadd.f32 v6, v1;
	[tilespmem:s28+$0xF0] =	vst v4  }
0x228: {  	[tilespmem:s28+$0xFFFFFF10] =	vst v5;
	v4 =	vadd.f32 v7, v3;
	v5 =	vld [tilespmem:s28+$0xFFFFFF80]  }
0x229: {  	[tilespmem:s28+$0xFFFFFF20] =	vst v6;
	v6 =	vadd.f32 v8, v0;
	v7 =	vld [tilespmem:s28+$0xFFFFFF90]  }
0x22a: {  	v8 =	vld [tilespmem:s28+$0xFFFFFFA0];
	[tilespmem:s28+$0xFFFFFF30] =	vst v4;
	v4 =	vadd.f32 v9, v2  }
0x22b: {  	[tilespmem:s28+$0xFFFFFF40] =	vst v6;
	v6 =	vadd.f32 v10, v1;
	v9 =	vld [tilespmem:s28+$0xFFFFFFB0]  }
0x22c: {  	v10 =	vld [tilespmem:s28+$0xFFFFFFC0];
	[tilespmem:s28+$0xFFFFFF50] =	vst v4;
	v4 =	vadd.f32 v11, v3  }
0x22d: {  	[tilespmem:s28+$0xFFFFFF60] =	vst v6;
	v6 =	vld [tilespmem:s28+$0xFFFFFFD0];
	v5 =	vadd.f32 v5, v0  }
0x22e: {  	[tilespmem:s28+$0xFFFFFF70] =	vst v4;
	v4 =	vadd.f32 v7, v2;
	v7 =	vld [tilespmem:s28+$0xFFFFFFE0]  }
0x22f: {  	[tilespmem:s28+$0xFFFFFF80] =	vst v5;
	v5 =	vadd.f32 v8, v1;
	v8 =	vld [tilespmem:s28+$0xFFFFFFF0]  }
0x230: {  	[tilespmem:s28+$0xFFFFFF90] =	vst v4;
	v4 =	vadd.f32 v9, v3;
	v9 =	vld [tilespmem:s28+$0x0]  }
0x231: {  	[tilespmem:s28+$0xFFFFFFA0] =	vst v5;
	v5 =	vadd.f32 v10, v0;
	v10 =	vld [tilespmem:s28+$0x10]  }
0x232: {  	[tilespmem:s28+$0xFFFFFFB0] =	vst v4;
	v4 =	vadd.f32 v6, v2;
	v6 =	vld [tilespmem:s28+$0x20]  }
0x233: {  	[tilespmem:s28+$0xFFFFFFC0] =	vst v5;
	v5 =	vadd.f32 v7, v1;
	v7 =	vld [tilespmem:s28+$0x30]  }
0x234: {  	[tilespmem:s28+$0xFFFFFFD0] =	vst v4;
	v4 =	vadd.f32 v8, v3;
	v8 =	vld [tilespmem:s28+$0x40]  }
0x235: {  	[tilespmem:s28+$0xFFFFFFE0] =	vst v5;
	v5 =	vadd.f32 v9, v0;
	v9 =	vld [tilespmem:s28+$0x50]  }
0x236: {  	[tilespmem:s28+$0xFFFFFFF0] =	vst v4;
	v4 =	vadd.f32 v10, v2;
	v10 =	vld [tilespmem:s28+$0x60]  }
0x237: {  	[tilespmem:s28+$0x0] =	vst v5;
	v5 =	vadd.f32 v6, v1;
	v6 =	vld [tilespmem:s28+$0x70]  }
0x238: {  	[tilespmem:s28+$0x10] =	vst v4;
	v4 =	vadd.f32 v7, v3;
	v7 =	vld [tilespmem:s28+$0x80]  }
0x239: {  	[tilespmem:s28+$0x20] =	vst v5;
	v5 =	vadd.f32 v8, v0;
	v8 =	vld [tilespmem:s28+$0x90]  }
0x23a: {  	v11 =	vld [tilespmem:s28+$0xA0];
	[tilespmem:s28+$0x30] =	vst v4;
	v9 =	vadd.f32 v9, v2  }
0x23b: {  	v4 =	vld [tilespmem:s28+$0xB0];
	[tilespmem:s28+$0x40] =	vst v5;
	v10 =	vadd.f32 v10, v1  }
0x23c: {  	v5 =	vld [tilespmem:s28+$0xC0];
	[tilespmem:s28+$0x50] =	vst v9;
	v9 =	vadd.f32 v6, v3  }
0x23d: {  	v6 =	vld [tilespmem:s28+$0xD0];
	[tilespmem:s28+$0x60] =	vst v10;
	v10 =	vadd.f32 v7, v0  }
0x23e: {  	v7 =	vld [tilespmem:s28+$0xE0];
	[tilespmem:s28+$0x70] =	vst v9;
	v9 =	vadd.f32 v8, v2  }
0x23f: {  	s29 =	simm.s32 $0x0;
	s1 =	simm.s32 $0x1C00;
	v8 =	vld [tilespmem:s28+$0xFFFFFF00];
	[tilespmem:s28+$0x80] =	vst v10;
	v10 =	vadd.f32 v11, v1  }
.LBB2_18:
0x240: {  	v11 =	vld [tilespmem:s1+$0xF0];
	s29 =	sadd.s32 $0x8, s29;
	[tilespmem:s28+$0x90] =	vst v9;
	v4 =	vadd.f32 v4, v3  }
0x241: {  	v9 =	vld [tilespmem:s1+$0xFFFFFF10];
	p0 =	slt.u32 s29, $0x78;
	[tilespmem:s28+$0xA0] =	vst v10;
	v5 =	vadd.f32 v5, v0  }
0x242: {  	v10 =	vld [tilespmem:s1+$0xFFFFFF20];
	[tilespmem:s28+$0xB0] =	vst v4;
	v4 =	vadd.f32 v6, v2  }
0x243: {  	v6 =	vld [tilespmem:s1+$0xFFFFFF30];
	[tilespmem:s28+$0xC0] =	vst v5;
	v5 =	vadd.f32 v7, v1  }
0x244: {  	v7 =	vld [tilespmem:s1+$0xFFFFFF40];
	v8 =	vadd.f32 v8, v0;
	[tilespmem:s28+$0xD0] =	vst v4  }
0x245: {  	v4 =	vld [tilespmem:s1+$0xFFFFFF50];
	v11 =	vadd.f32 v11, v3;
	[tilespmem:s28+$0xE0] =	vst v5  }
0x246: {  	v5 =	vadd.f32 v9, v2;
	v9 =	vld [tilespmem:s1+$0xFFFFFF60];
	[tilespmem:s28+$0xFFFFFF00] =	vst v8;
	s28 =	smov.u32 s1  }
0x247: {  	v8 =	vadd.f32 v10, v1;
	v10 =	vld [tilespmem:s1+$0xFFFFFF70];
	[tilespmem:s1+$0xF0] =	vst v11  }
0x248: {  	[tilespmem:s1+$0xFFFFFF10] =	vst v5;
	v5 =	vadd.f32 v6, v3;
	v6 =	vld [tilespmem:s1+$0xFFFFFF80]  }
0x249: {  	[tilespmem:s1+$0xFFFFFF20] =	vst v8;
	v7 =	vadd.f32 v7, v0;
	v8 =	vld [tilespmem:s1+$0xFFFFFF90]  }
0x24a: {  	[tilespmem:s1+$0xFFFFFF30] =	vst v5;
	v4 =	vadd.f32 v4, v2;
	v5 =	vld [tilespmem:s1+$0xFFFFFFA0]  }
0x24b: {  	[tilespmem:s1+$0xFFFFFF40] =	vst v7;
	v7 =	vadd.f32 v9, v1;
	v9 =	vld [tilespmem:s1+$0xFFFFFFB0]  }
0x24c: {  	[tilespmem:s1+$0xFFFFFF50] =	vst v4;
	v4 =	vadd.f32 v10, v3;
	v10 =	vld [tilespmem:s1+$0xFFFFFFC0]  }
0x24d: {  	[tilespmem:s1+$0xFFFFFF60] =	vst v7;
	v6 =	vadd.f32 v6, v0;
	v7 =	vld [tilespmem:s1+$0xFFFFFFD0]  }
0x24e: {  	[tilespmem:s1+$0xFFFFFF70] =	vst v4;
	v4 =	vadd.f32 v8, v2;
	v8 =	vld [tilespmem:s1+$0xFFFFFFE0]  }
0x24f: {  	[tilespmem:s1+$0xFFFFFF80] =	vst v6;
	v5 =	vadd.f32 v5, v1;
	v6 =	vld [tilespmem:s1+$0xFFFFFFF0]  }
0x250: {  	[tilespmem:s1+$0xFFFFFF90] =	vst v4;
	v4 =	vadd.f32 v9, v3;
	v9 =	vld [tilespmem:s1+$0x0]  }
0x251: {  	[tilespmem:s1+$0xFFFFFFA0] =	vst v5;
	v5 =	vadd.f32 v10, v0;
	v10 =	vld [tilespmem:s1+$0x10]  }
0x252: {  	[tilespmem:s1+$0xFFFFFFB0] =	vst v4;
	v4 =	vadd.f32 v7, v2;
	v7 =	vld [tilespmem:s1+$0x20]  }
0x253: {  	[tilespmem:s1+$0xFFFFFFC0] =	vst v5;
	v5 =	vadd.f32 v8, v1;
	v8 =	vld [tilespmem:s1+$0x30]  }
0x254: {  	[tilespmem:s1+$0xFFFFFFD0] =	vst v4;
	v4 =	vadd.f32 v6, v3;
	v6 =	vld [tilespmem:s1+$0x40]  }
0x255: {  	[tilespmem:s1+$0xFFFFFFE0] =	vst v5;
	v5 =	vadd.f32 v9, v0;
	v9 =	vld [tilespmem:s1+$0x50]  }
0x256: {  	[tilespmem:s1+$0xFFFFFFF0] =	vst v4;
	v4 =	vadd.f32 v10, v2;
	v10 =	vld [tilespmem:s1+$0x60]  }
0x257: {  	[tilespmem:s1+$0x0] =	vst v5;
	v5 =	vadd.f32 v7, v1;
	v7 =	vld [tilespmem:s1+$0x70]  }
0x258: {  	[tilespmem:s1+$0x10] =	vst v4;
	v4 =	vadd.f32 v8, v3;
	v8 =	vld [tilespmem:s1+$0x80]  }
0x259: {  	[tilespmem:s1+$0x20] =	vst v5;
	v5 =	vadd.f32 v6, v0;
	v11 =	vld [tilespmem:s1+$0x90]  }
0x25a: {  	[tilespmem:s1+$0x30] =	vst v4;
	v6 =	vadd.f32 v9, v2;
	v12 =	vld [tilespmem:s1+$0xA0]  }
.Ltmp8:
0x25b: {  	[tilespmem:s1+$0x40] =	vst v5;
	v9 =	vadd.f32 v10, v1;
	v4 =	vld [tilespmem:s1+$0xB0];
	(pc) =	sbr.rel @p0 .LBB2_18-.Ltmp8, $4  }
0x25c: {  	[tilespmem:s1+$0x50] =	vst v6;
	v7 =	vadd.f32 v7, v3;
	v5 =	vld [tilespmem:s1+$0xC0]  }
0x25d: {  	[tilespmem:s1+$0x60] =	vst v9;
	v10 =	vadd.f32 v8, v0;
	v6 =	vld [tilespmem:s1+$0xD0]  }
0x25e: {  	[tilespmem:s1+$0x70] =	vst v7;
	v9 =	vadd.f32 v11, v2;
	v7 =	vld [tilespmem:s1+$0xE0]  }
0x25f: {  	s1 =	sadd.s32 $0x200, s1;
	v8 =	vld [tilespmem:s28+$0xFFFFFF00];
	[tilespmem:s28+$0x80] =	vst v10;
	v10 =	vadd.f32 v12, v1  }
0x260: {  	[tilespmem:s28+$0x90] =	vst v9;
	v3 =	vadd.f32 v4, v3  }
0x261: {  	[tilespmem:s28+$0xA0] =	vst v10;
	v4 =	vadd.f32 v5, v0  }
0x262: {  	[tilespmem:s28+$0xB0] =	vst v3;
	v2 =	vadd.f32 v6, v2  }
0x263: {  	[tilespmem:s28+$0xC0] =	vst v4;
	v1 =	vadd.f32 v7, v1  }
0x264: {  	v0 =	vadd.f32 v8, v0;
	[tilespmem:s28+$0xD0] =	vst v2  }
0x265: {  	[tilespmem:s28+$0xE0] =	vst v1  }
0x266: {  	[tilespmem:s28+$0xFFFFFF00] =	vst v0  }
0x267: {  	[hbm4b:s12+s2] =	stream.linear.scatter [tilespmem:s21], [sflag:$0x3], $0x2000, $0x38;
	[tilespmem:$0x7200] =	vst v63  }
0x268: {  	_ =	swait.ge [sflag:s17], $0x2000  }
0x269: {  	[sflag:s17] =	ssyncset.done $0x0  }
0x26a: {  	[sflag:s17] =	ssyncadd.s32 $0xFFFFE000  }
0x26b: {  	_ =	swait.ge [sflag:s24], $0x2000  }
0x26c: {  	[sflag:s24] =	ssyncset.done $0x0  }
0x26d: {  	[sflag:s24] =	ssyncadd.s32 $0xFFFFE000  }
0x26e: {  	v0 =	vld [tilespmem:$0x71C0]  }
0x26f: {  	v2 =	vld [tilespmem:$0x71D0]  }
0x270: {  	v1 =	vld [tilespmem:$0x71E0]  }
0x271: {  	s28 =	simm.s32 $0x3A00;
	v3 =	vld [tilespmem:$0x71F0]  }
0x272: {  	v4 =	vld [tilespmem:s28+$0xF0]  }
0x273: {  	v5 =	vld [tilespmem:s28+$0xFFFFFF10]  }
0x274: {  	v6 =	vld [tilespmem:s28+$0xFFFFFF20]  }
0x275: {  	v7 =	vld [tilespmem:s28+$0xFFFFFF30]  }
0x276: {  	v8 =	vld [tilespmem:s28+$0xFFFFFF40]  }
0x277: {  	v9 =	vld [tilespmem:s28+$0xFFFFFF50];
	v4 =	vadd.f32 v4, v3  }
0x278: {  	v10 =	vld [tilespmem:s28+$0xFFFFFF60];
	v5 =	vadd.f32 v5, v2  }
0x279: {  	v11 =	vld [tilespmem:s28+$0xFFFFFF70];
	v6 =	vadd.f32 v6, v1;
	[tilespmem:s28+$0xF0] =	vst v4  }
0x27a: {  	[tilespmem:s28+$0xFFFFFF10] =	vst v5;
	v4 =	vadd.f32 v7, v3;
	v5 =	vld [tilespmem:s28+$0xFFFFFF80]  }
0x27b: {  	[tilespmem:s28+$0xFFFFFF20] =	vst v6;
	v6 =	vadd.f32 v8, v0;
	v7 =	vld [tilespmem:s28+$0xFFFFFF90]  }
0x27c: {  	v8 =	vld [tilespmem:s28+$0xFFFFFFA0];
	[tilespmem:s28+$0xFFFFFF30] =	vst v4;
	v4 =	vadd.f32 v9, v2  }
0x27d: {  	[tilespmem:s28+$0xFFFFFF40] =	vst v6;
	v6 =	vadd.f32 v10, v1;
	v9 =	vld [tilespmem:s28+$0xFFFFFFB0]  }
0x27e: {  	v10 =	vld [tilespmem:s28+$0xFFFFFFC0];
	[tilespmem:s28+$0xFFFFFF50] =	vst v4;
	v4 =	vadd.f32 v11, v3  }
0x27f: {  	[tilespmem:s28+$0xFFFFFF60] =	vst v6;
	v6 =	vld [tilespmem:s28+$0xFFFFFFD0];
	v5 =	vadd.f32 v5, v0  }
0x280: {  	[tilespmem:s28+$0xFFFFFF70] =	vst v4;
	v4 =	vadd.f32 v7, v2;
	v7 =	vld [tilespmem:s28+$0xFFFFFFE0]  }
0x281: {  	[tilespmem:s28+$0xFFFFFF80] =	vst v5;
	v5 =	vadd.f32 v8, v1;
	v8 =	vld [tilespmem:s28+$0xFFFFFFF0]  }
0x282: {  	[tilespmem:s28+$0xFFFFFF90] =	vst v4;
	v4 =	vadd.f32 v9, v3;
	v9 =	vld [tilespmem:s28+$0x0]  }
0x283: {  	[tilespmem:s28+$0xFFFFFFA0] =	vst v5;
	v5 =	vadd.f32 v10, v0;
	v10 =	vld [tilespmem:s28+$0x10]  }
0x284: {  	[tilespmem:s28+$0xFFFFFFB0] =	vst v4;
	v4 =	vadd.f32 v6, v2;
	v6 =	vld [tilespmem:s28+$0x20]  }
0x285: {  	[tilespmem:s28+$0xFFFFFFC0] =	vst v5;
	v5 =	vadd.f32 v7, v1;
	v7 =	vld [tilespmem:s28+$0x30]  }
0x286: {  	[tilespmem:s28+$0xFFFFFFD0] =	vst v4;
	v4 =	vadd.f32 v8, v3;
	v8 =	vld [tilespmem:s28+$0x40]  }
0x287: {  	[tilespmem:s28+$0xFFFFFFE0] =	vst v5;
	v5 =	vadd.f32 v9, v0;
	v9 =	vld [tilespmem:s28+$0x50]  }
0x288: {  	[tilespmem:s28+$0xFFFFFFF0] =	vst v4;
	v4 =	vadd.f32 v10, v2;
	v10 =	vld [tilespmem:s28+$0x60]  }
0x289: {  	[tilespmem:s28+$0x0] =	vst v5;
	v5 =	vadd.f32 v6, v1;
	v6 =	vld [tilespmem:s28+$0x70]  }
0x28a: {  	[tilespmem:s28+$0x10] =	vst v4;
	v4 =	vadd.f32 v7, v3;
	v7 =	vld [tilespmem:s28+$0x80]  }
0x28b: {  	[tilespmem:s28+$0x20] =	vst v5;
	v5 =	vadd.f32 v8, v0;
	v8 =	vld [tilespmem:s28+$0x90]  }
0x28c: {  	v11 =	vld [tilespmem:s28+$0xA0];
	[tilespmem:s28+$0x30] =	vst v4;
	v9 =	vadd.f32 v9, v2  }
0x28d: {  	v4 =	vld [tilespmem:s28+$0xB0];
	[tilespmem:s28+$0x40] =	vst v5;
	v10 =	vadd.f32 v10, v1  }
0x28e: {  	v5 =	vld [tilespmem:s28+$0xC0];
	[tilespmem:s28+$0x50] =	vst v9;
	v9 =	vadd.f32 v6, v3  }
0x28f: {  	v6 =	vld [tilespmem:s28+$0xD0];
	[tilespmem:s28+$0x60] =	vst v10;
	v10 =	vadd.f32 v7, v0  }
0x290: {  	v7 =	vld [tilespmem:s28+$0xE0];
	[tilespmem:s28+$0x70] =	vst v9;
	v9 =	vadd.f32 v8, v2  }
0x291: {  	s29 =	simm.s32 $0x0;
	s1 =	simm.s32 $0x3C00;
	v8 =	vld [tilespmem:s28+$0xFFFFFF00];
	[tilespmem:s28+$0x80] =	vst v10;
	v10 =	vadd.f32 v11, v1  }
.LBB2_20:
0x292: {  	v11 =	vld [tilespmem:s1+$0xF0];
	s29 =	sadd.s32 $0x8, s29;
	[tilespmem:s28+$0x90] =	vst v9;
	v4 =	vadd.f32 v4, v3  }
0x293: {  	v9 =	vld [tilespmem:s1+$0xFFFFFF10];
	p0 =	slt.u32 s29, $0x78;
	[tilespmem:s28+$0xA0] =	vst v10;
	v5 =	vadd.f32 v5, v0  }
0x294: {  	v10 =	vld [tilespmem:s1+$0xFFFFFF20];
	[tilespmem:s28+$0xB0] =	vst v4;
	v4 =	vadd.f32 v6, v2  }
0x295: {  	v6 =	vld [tilespmem:s1+$0xFFFFFF30];
	[tilespmem:s28+$0xC0] =	vst v5;
	v5 =	vadd.f32 v7, v1  }
0x296: {  	v7 =	vld [tilespmem:s1+$0xFFFFFF40];
	v8 =	vadd.f32 v8, v0;
	[tilespmem:s28+$0xD0] =	vst v4  }
0x297: {  	v4 =	vld [tilespmem:s1+$0xFFFFFF50];
	v11 =	vadd.f32 v11, v3;
	[tilespmem:s28+$0xE0] =	vst v5  }
0x298: {  	v5 =	vadd.f32 v9, v2;
	v9 =	vld [tilespmem:s1+$0xFFFFFF60];
	[tilespmem:s28+$0xFFFFFF00] =	vst v8;
	s28 =	smov.u32 s1  }
0x299: {  	v8 =	vadd.f32 v10, v1;
	v10 =	vld [tilespmem:s1+$0xFFFFFF70];
	[tilespmem:s1+$0xF0] =	vst v11  }
0x29a: {  	[tilespmem:s1+$0xFFFFFF10] =	vst v5;
	v5 =	vadd.f32 v6, v3;
	v6 =	vld [tilespmem:s1+$0xFFFFFF80]  }
0x29b: {  	[tilespmem:s1+$0xFFFFFF20] =	vst v8;
	v7 =	vadd.f32 v7, v0;
	v8 =	vld [tilespmem:s1+$0xFFFFFF90]  }
0x29c: {  	[tilespmem:s1+$0xFFFFFF30] =	vst v5;
	v4 =	vadd.f32 v4, v2;
	v5 =	vld [tilespmem:s1+$0xFFFFFFA0]  }
0x29d: {  	[tilespmem:s1+$0xFFFFFF40] =	vst v7;
	v7 =	vadd.f32 v9, v1;
	v9 =	vld [tilespmem:s1+$0xFFFFFFB0]  }
0x29e: {  	[tilespmem:s1+$0xFFFFFF50] =	vst v4;
	v4 =	vadd.f32 v10, v3;
	v10 =	vld [tilespmem:s1+$0xFFFFFFC0]  }
0x29f: {  	[tilespmem:s1+$0xFFFFFF60] =	vst v7;
	v6 =	vadd.f32 v6, v0;
	v7 =	vld [tilespmem:s1+$0xFFFFFFD0]  }
0x2a0: {  	[tilespmem:s1+$0xFFFFFF70] =	vst v4;
	v4 =	vadd.f32 v8, v2;
	v8 =	vld [tilespmem:s1+$0xFFFFFFE0]  }
0x2a1: {  	[tilespmem:s1+$0xFFFFFF80] =	vst v6;
	v5 =	vadd.f32 v5, v1;
	v6 =	vld [tilespmem:s1+$0xFFFFFFF0]  }
0x2a2: {  	[tilespmem:s1+$0xFFFFFF90] =	vst v4;
	v4 =	vadd.f32 v9, v3;
	v9 =	vld [tilespmem:s1+$0x0]  }
0x2a3: {  	[tilespmem:s1+$0xFFFFFFA0] =	vst v5;
	v5 =	vadd.f32 v10, v0;
	v10 =	vld [tilespmem:s1+$0x10]  }
0x2a4: {  	[tilespmem:s1+$0xFFFFFFB0] =	vst v4;
	v4 =	vadd.f32 v7, v2;
	v7 =	vld [tilespmem:s1+$0x20]  }
0x2a5: {  	[tilespmem:s1+$0xFFFFFFC0] =	vst v5;
	v5 =	vadd.f32 v8, v1;
	v8 =	vld [tilespmem:s1+$0x30]  }
0x2a6: {  	[tilespmem:s1+$0xFFFFFFD0] =	vst v4;
	v4 =	vadd.f32 v6, v3;
	v6 =	vld [tilespmem:s1+$0x40]  }
0x2a7: {  	[tilespmem:s1+$0xFFFFFFE0] =	vst v5;
	v5 =	vadd.f32 v9, v0;
	v9 =	vld [tilespmem:s1+$0x50]  }
0x2a8: {  	[tilespmem:s1+$0xFFFFFFF0] =	vst v4;
	v4 =	vadd.f32 v10, v2;
	v10 =	vld [tilespmem:s1+$0x60]  }
0x2a9: {  	[tilespmem:s1+$0x0] =	vst v5;
	v5 =	vadd.f32 v7, v1;
	v7 =	vld [tilespmem:s1+$0x70]  }
0x2aa: {  	[tilespmem:s1+$0x10] =	vst v4;
	v4 =	vadd.f32 v8, v3;
	v8 =	vld [tilespmem:s1+$0x80]  }
0x2ab: {  	[tilespmem:s1+$0x20] =	vst v5;
	v5 =	vadd.f32 v6, v0;
	v11 =	vld [tilespmem:s1+$0x90]  }
0x2ac: {  	[tilespmem:s1+$0x30] =	vst v4;
	v6 =	vadd.f32 v9, v2;
	v12 =	vld [tilespmem:s1+$0xA0]  }
.Ltmp9:
0x2ad: {  	[tilespmem:s1+$0x40] =	vst v5;
	v9 =	vadd.f32 v10, v1;
	v4 =	vld [tilespmem:s1+$0xB0];
	(pc) =	sbr.rel @p0 .LBB2_20-.Ltmp9, $4  }
0x2ae: {  	[tilespmem:s1+$0x50] =	vst v6;
	v7 =	vadd.f32 v7, v3;
	v5 =	vld [tilespmem:s1+$0xC0]  }
0x2af: {  	[tilespmem:s1+$0x60] =	vst v9;
	v10 =	vadd.f32 v8, v0;
	v6 =	vld [tilespmem:s1+$0xD0]  }
0x2b0: {  	[tilespmem:s1+$0x70] =	vst v7;
	v9 =	vadd.f32 v11, v2;
	v7 =	vld [tilespmem:s1+$0xE0]  }
0x2b1: {  	s1 =	sadd.s32 $0x200, s1;
	v8 =	vld [tilespmem:s28+$0xFFFFFF00];
	[tilespmem:s28+$0x80] =	vst v10;
	v10 =	vadd.f32 v12, v1  }
0x2b2: {  	[tilespmem:s28+$0x90] =	vst v9;
	v3 =	vadd.f32 v4, v3  }
0x2b3: {  	[tilespmem:s28+$0xA0] =	vst v10;
	v62 =	vadd.f32 v5, v0  }
0x2b4: {  	[tilespmem:s28+$0xB0] =	vst v3;
	v2 =	vadd.f32 v6, v2  }
0x2b5: {  	[tilespmem:s28+$0xC0] =	vst v62;
	v1 =	vadd.f32 v7, v1  }
0x2b6: {  	s26 =	sadd.s32 $0x1, s26;
	v63 =	vadd.f32 v8, v0;
	[tilespmem:s28+$0xD0] =	vst v2  }
0x2b7: {  	p0 =	sne.s32 s26, s14;
	[tilespmem:s28+$0xE0] =	vst v1  }
.Ltmp10:
0x2b8: {  	[tilespmem:s28+$0xFFFFFF00] =	vst v63;
	(pc) =	sbr.rel @p0 .LBB2_1-.Ltmp10, $4  }
0x2b9: {  	[hbm4b:s13+s2] =	stream.linear.scatter [tilespmem:s22], [sflag:$0x3], $0x2000, $0x38;
	[tilespmem:$0x7200] =	vst v63  }
0x2ba: {  	_ =	swait.ge [sflag:s17], $0x2000  }
0x2bb: {  	[sflag:s17] =	ssyncset.done $0x0  }
0x2bc: {  	[sflag:s17] =	ssyncadd.s32 $0xFFFFE000  }
0x2bd: {  	_ =	sfence.sel $0x180000  }
0x2be: {  	[bflag:$0x0] =	sbarrier.arrive $0xFFFF  }
0x2bf: {  	_ =	strace $0x90000047  }
0x2c0: {  	[bflag:$0x2] =	sbarrier.arrive $0xFFFF  }
0x2c1: {  	p0 =	sne.s32 s0, $0x0;
	s0 =	rddreg [dreg:$0x2]  }
0x2c2: {  	s0 =	sadd.s32 @!p0 $0x100000, s0  }
0x2c3: {  	[sflag:s0] =	ssyncadd.tile.s32 @!p0 $0x1;
	_ =	shalt  }
.Lfunc_end2:
_tile_overlayer_lowered:
.L_overlay_start_2:
0x2c4: {  	(tag) =	ssettag $0x2  }
0x2c5: {  	s0 =	rddreg [dreg:$0x0];
	s2 =	stileid.u32  }
0x2c6: {  	s1 =	rddreg [dreg:$0x1];
	p0 =	sne.s32 s2, $0x0  }
0x2c7: {  	s3 =	rddreg [dreg:$0x2];
	[bflag:$0x3] =	sbarrier.arrive $0xFFFF;
	s2 =	simm.s32 @!p0 $0x1C03  }
0x2c8: {  	[timem:s3], [sflag:s2] =	dma.local @!p0 [hbm:s0], s1  }
0x2c9: {  	s0 =	simm.s32 @!p0 $0x3  }
0x2ca: {  	_ =	swait.ge @!p0 [sflag:s0], s1  }
0x2cb: {  	s1 =	ssub.s32 @!p0 $0x0, s1;
	[sflag:s0] =	ssyncset.done @!p0 $0x0  }
0x2cc: {  	[sflag:s0] =	ssyncadd.s32 @!p0 s1  }
0x2cd: {  	[bflag:$0x3] =	sbarrier.arrive $0xFFFF  }
0x2ce: {  	_ =	shalt  }

// kernel: sparse-core-data-format-call.cloned.1.call-start
scs
called_computation_lowered:
.L_overlay_start_0:
0x0: {  	s2 =	sld [smem:$0x3FD9]  }
0x1: {  	s3 =	sld [smem:$0x3FFE];
	_ =	sdelay $0x1  }
0x2: {  	s1 =	srdreg.scid  }
0x3: {  	s0 =	sand.u32 $0x1, s1  }
0x4: {  	s18 =	sshll.u32 s0, $0xA;
	s2 =	sadd.s32 s3, s2  }
0x5: {  	s2 =	sadd.s32 s2, s18  }
0x6: {  	[smem:$0x3FC2] =	sst s2  }
0x7: {  	_ = 	snop  }
0x8: {  	s2 =	sld [smem:$0x3FD0];
	(tm) =	ssettm $0x1  }
0x9: {  	s19 =	sld [smem:$0x3FFB];
	_ =	sdelay $0x3  }
0xa: {  	_ =	strace s19  }
0xb: {  	s3 =	sld [smem:$0x3FFC];
	_ =	sdelay $0x3  }
0xc: {  	_ =	strace s3  }
0xd: {  	s3 =	sld [smem:$0x3FFD];
	_ =	sdelay $0x3  }
0xe: {  	_ =	strace s3  }
0xf: {  	_ =	strace $0x8FFFFFFF  }
0x10: {  	s20 =	sld [smem:$0x3FDB];
	_ =	sdelay $0x1  }
0x11: {  	s4 =	simm.s32 $_scs_section_size  }
0x12: {  	s5 =	simm.s32 $_size__tile_overlayer_lowered;
	s6 =	simm.s32 $_tile_overlayer_lowered  }
0x13: {  	s23 =	simm.s32 $0x1BFF;
	s22 =	sshll.u32 s6, $0x1;
	s3 =	sadd.s32 s4, s20  }
0x14: {  	s7 =	simm.s32 $0x0;
	s21 =	sshll.u32 s5, $0x1;
	s5 =	sadd.s32 s22, s3  }
0x15: {  	[timem:s7], [sflag:s23] =	dma.local [hbm:s5], s21  }
0x16: {  	_ =	swait.ge [sflag:s23], s21  }
0x17: {  	s4 =	ssub.s32 $0x0, s21;
	[sflag:s23] =	ssyncset.done $0x0  }
0x18: {  	[sflag:s23] =	ssyncadd.s32 s4;
	_ =	sdelay $0x1  }
0x19: {  	s24 =	simm.s32 $0x1B8B  }
0x1a: {  	_ =	swait.ge [sflag:s24], $0x1  }
0x1b: {  	[sflag:s24] =	ssyncset.done $0x0  }
0x1c: {  	s26 =	simm.s32 $0x1B8E;
	s25 =	sld [smem:$0x3FFE];
	[sflag:s24] =	ssyncadd.s32 $0xFFFFFFFF  }
0x1d: {  	s27 =	simm.s32 $execute0_lowered;
	[smem:$0x3FD2] =	sst s26  }
0x1e: {  	s5 =	sshll.u32 s27, $0x1;
	_ =	strace $0x80000049;
	[dreg:$0x1] =	wrdreg $0xFFFFFFFF  }
0x1f: {  	s28 =	simm.s32 $_size_execute0_lowered;
	s3 =	sadd.s32 s3, s5;
	[dreg:$0x0] =	wrdreg $0x0  }
0x20: {  	s5 =	sshll.u32 s28, $0x1;
	[dreg:$0x2] =	wrdreg s3  }
0x21: {  	[dreg:$0x3] =	wrdreg s5  }
0x22: {  	[dreg:$0x4] =	wrdreg $0xC0  }
0x23: {  	_ =	task [dreg:s7], $0x5FFFF  }
0x24: {  	[dreg:$0x1] =	wrdreg $0xFFFFFFFF  }
0x25: {  	[dreg:$0x0] =	wrdreg $0x60  }
0x26: {  	[dreg:$0x2] =	wrdreg s25  }
0x27: {  	[dreg:$0x3] =	wrdreg s2  }
0x28: {  	[dreg:$0x4] =	wrdreg $0x9  }
0x29: {  	_ =	task.clear_ibuf [dreg:s7], $0x5FFFF;
	_ =	strace $0x90000049  }
0x2a: {  	s29 =	simm.s32 $0x9;
	_ =	strace $0x8000004B  }
0x2b: {  	_ =	swait.ge [sflag:s29], $0x1  }
0x2c: {  	[sflag:s29] =	ssyncadd.s32 $0xFFFFFFFF  }
0x2d: {  	_ =	strace $0x9000004B  }
0x2e: {  	_ =	sfence  }
0x2f: {  	s30 =	sld [smem:$0x0];
	_ =	sdelay $0x2  }
0x30: {  	s31 =	sshll.u32 s1, $0xD;
	s1 =	sshrl.u32 s1, $0x2  }
0x31: {  	s3 =	sand.u32 $0x4000, s31;
	s1 =	sadd.s32 s1, s30  }
0x32: {  	s0 =	sor.u32 s3, s0;
	s1 =	sshll.u32 s1, $0x11  }
0x33: {  	s0 =	sor.u32 s1, s0  }
0x34: {  	s0 =	sadd.s32 $0x8F2B, s0  }
0x35: {  	[sflag:s0] =	ssyncadd.remote.s32 $0x1  }
0x36: {  	_ =	sfence.sel $0xFFFF  }
0x37: {  	[dreg:$0x0] =	wrdreg $0xFFFFFFFF;
	(pc) =	sbr.abs _section_cstart, $3  }
0x38: {  	[dreg:$0x1] =	wrdreg $0xFFFFFFFF  }
0x39: {  	_ =	task.clear_ibuf [dreg:s7], $0x2FFFF;
	_ =	strace $0x9FFFFFFF  }
0x3a: {  	(tm) =	ssettm $0x7FFFFFFF  }
0x3b: {  	_ =	shalt  }
tec
execute0_lowered:
.L_overlay_start_1:
0x0: {  	(tag) =	ssettag $0x1  }
0x1: {  	s0 =	srdreg.scid  }
0x2: {  	s1 =	sshll.u32 s0, $0x4  }
0x3: {  	s5 =	rddreg [dreg:$0x0];
	s0 =	stileid.u32;
	s1 =	sand.u32 $0x10, s1  }
0x4: {  	s3 =	rddreg [dreg:$0x1];
	s31 =	simm.s32 $0x2;
	s4 =	sor.u32 s0, s1  }
0x5: {  	s13 =	simm.s32 $0x0;
	s9 =	simm.s32 $0x400;
	s2 =	sshll.u32 s4, $0x7  }
0x6: {  	s10 =	simm.s32 $0x8000;
	s14 =	simm.s32 $0x0;
	s6 =	ssub.s32 $0x1000, s2  }
0x7: {  	s1 =	rddreg [dreg:$0x2];
	_ =	strace $0x8000004A;
	s7 =	sand.u32 $0xF80, s6  }
0x8: {  	s4 =	sshll.u32 s4, $0xB;
	p0 =	sne.s32 s7, $0x0;
	s7 =	simm.s32 $0x1  }
.Ltmp0:
0x9: {  	s6 =	sshrl.u32 s6, $0xC;
	s7 =	simm.s32 @!p0 $0x0;
	(pc) =	sbr.rel .LBB1_1-.Ltmp0, $4  }
0xa: {  	s8 =	sadd.s32 s4, s5;
	s4 =	simm.s32 $0x1;
	s30 =	sadd.s32 s7, s6  }
0xb: {  	s11 =	simm.s32 $0x0;
	[sflag:s4] =	ssyncpa.u1 $0x0;
	s5 =	smul.u32 $0x32, s30  }
0xc: {  	s12 =	simm.s32 $0x0;
	[sflag:s31] =	ssyncpa.u1 $0x0;
	p0 =	por $0x0, $0x0  }
0xd: {  	s6 =	sadd.s32 $0x1200, s8;
	s7 =	sadd.s32 $0x11200, s8;
	s8 =	sor.u32 $0x1, s5  }
.LBB1_7:
0xe: {  	s15 =	sadd.s32 $0x2, s11  }
0xf: {  	p2 =	sgt.s32 s15, $0x63  }
0x10: {  	s15 =	simm.s32 @p2 $0x0;
	p2 =	sne.s32 s12, s8  }
.Ltmp1:
0x11: {  	p1 =	slt.u32 s12, $0x2;
	(pc) =	sbr.rel @!p2 .LBB1_8-.Ltmp1, $4  }
0x12: {  	s13 =	simm.s32 @!p1 $0x2  }
0x13: {  	s16 =	sadd.s32 $0x1, s12;
	s14 =	smov.u32 s11;
	_ =	swait.ge @!p1 [sflag:s13], $0x4000  }
0x14: {  	p0 =	por !p0, !p0;
	s12 =	smov.u32 s16;
	[sflag:s13] =	ssyncset.done @!p1 $0x0  }
0x15: {  	s11 =	smov.u32 s15;
	[sflag:s13] =	ssyncadd.s32 @!p1 $0xFFFFC000;
	s13 =	smov.u32 s2  }
.LBB1_1:
0x16: {  	p1 =	sge.u32 s12, s5  }
0x17: {  	s15 =	sxor.u32 @!p1 $0xFFFFFFFF, s12  }
0x18: {  	s16 =	sshll.u32 @!p1 s11, $0x10;
	s18 =	simm.s32 @!p1 $0x40;
	s15 =	sshll.u32 @!p1 s15, $0xE  }
0x19: {  	s19 =	simm.s32 @!p1 $0x80;
	s17 =	sadd.s32 @!p1 s16, s6;
	s15 =	sand.u32 @!p1 $0x4000, s15  }
0x1a: {  	[tilespmem:s15], [sflag:$0x1] =	stream.strided.gather @!p1 [hbm4b:s17+s18], $0x2000, s19, s18, $0x38;
	[tilespmem:$0x10100] =	vst v63  }
0x1b: {  	s31 =	sadd.s32 $0xFFFFFFFF, s12;
	s16 =	sadd.s32 @!p1 s16, s7;
	s15 =	sor.u32 @!p1 $0x2000, s15  }
0x1c: {  	[tilespmem:s15], [sflag:$0x1] =	stream.strided.gather @!p1 [hbm4b:s16+s18], $0x2000, s19, s18, $0x38;
	[tilespmem:$0x10100] =	vst v63  }
0x1d: {  	p1 =	sge.u32 s31, s5  }
.Ltmp2:
0x1e: {  	_ = 	snop;
	(pc) =	sbr.rel @p1 .LBB1_7-.Ltmp2, $1  }
0x1f: {  	_ =	sdelay $0x3  }
0x20: {  	s15 =	simm.s32 $0x1;
	s17 =	sand.u32 $0x1, s12  }
0x21: {  	_ =	swait.ge [sflag:s4], $0x4000;
	s15 =	simm.s32 @!p0 $0x0;
	s17 =	smul.u32 $0x10200, s17  }
0x22: {  	p2 =	por $0x1, $0x1;
	[sflag:s4] =	ssyncset.done $0x0;
	s16 =	smul.u32 $0x10200, s15  }
0x23: {  	s18 =	sshll.u32 s15, $0x10;
	[sflag:s4] =	ssyncadd.s32 $0xFFFFC000;
	s30 =	sshrl.u32 s17, $0x2  }
0x24: {  	s31 =	sshrl.u32 s18, $0x2;
	s18 =	simm.s32 $0x0;
	s16 =	sshrl.u32 s16, $0x2  }
0x25: {  	s15 =	sor.u32 $0x8000, s30;
	s17 =	sadd.s32 $0x20, s31;
	s16 =	sor.u32 $0x8000, s16  }
.LBB1_3:
0x26: {  	s19 =	sshll.u32 s18, $0xD  }
0x27: {  	s19 =	sand.u32 $0x3FFFE000, s19  }
0x28: {  	s21 =	sadd.s32 s19, s17  }
0x29: {  	s31 =	smul.u32 $0x8100, s18;
	v3 =	vld [tilespmem:s21+$0x10]  }
0x2a: {  	v1 =	vld [tilespmem:s21+$0xFFFFFFF0]  }
0x2b: {  	s18 =	sshra.s32 s31, $0x2;
	v0 =	vld [tilespmem:s21+$0x0]  }
0x2c: {  	s18 =	sadd.s32 s18, s16;
	v2 =	vld [tilespmem:s21+$0xFFFFFFE0]  }
0x2d: {  	s19 =	sadd.s32 $0x0, s18  }
0x2e: {  	p1 =	por p2, p2;
	s20 =	simm.s32 $0x4;
	s21 =	sadd.s32 $0x40, s21;
	[tilespmem:s19+$0x1830 ss:$0x81] =	vst.msk $0xffff, v3  }
.LBB1_4:
0x2f: {  	v3 =	vld [tilespmem:s21+$0x10];
	p2 =	sne.s32 s20, $0x1FC;
	[tilespmem:s19+$0x810 ss:$0x81] =	vst.msk $0xffff, v1;
	s22 =	smov.u32 s20;
	s20 =	sadd.s32 $0x4, s20  }
.Ltmp3:
0x30: {  	v1 =	vld [tilespmem:s21+$0xFFFFFFF0];
	[tilespmem:s19+$0x1020 ss:$0x81] =	vst.msk $0xffff, v0;
	(pc) =	sbr.rel @p2 .LBB1_4-.Ltmp3, $4  }
0x31: {  	v0 =	vld [tilespmem:s21+$0x0];
	[tilespmem:s19+$0x0 ss:$0x81] =	vst.msk $0xffff, v2  }
0x32: {  	s19 =	sshra.s32 s22, $0x2;
	v2 =	vld [tilespmem:s21+$0xFFFFFFE0]  }
0x33: {  	s19 =	sadd.s32 s19, s18  }
0x34: {  	s21 =	sadd.s32 $0x40, s21;
	[tilespmem:s19+$0x1830 ss:$0x81] =	vst.msk $0xffff, v3  }
.Ltmp4:
0x35: {  	(pc) =	sbr.rel @p1 .LBB1_3-.Ltmp4, $4  }
0x36: {  	_ = 	snop  }
0x37: {  	[tilespmem:s19+$0x810 ss:$0x81] =	vst.msk $0xffff, v1  }
0x38: {  	[tilespmem:s19+$0x1020 ss:$0x81] =	vst.msk $0xffff, v0  }
0x39: {  	s18 =	simm.s32 $0x1;
	p2 =	por $0x0, $0x0;
	[tilespmem:s19+$0x0 ss:$0x81] =	vst.msk $0xffff, v2  }
.Ltmp5:
0x3a: {  	(pc) =	sbr.rel .LBB1_7-.Ltmp5, $4  }
0x3b: {  	s14 =	sshll.u32 s14, $0xF  }
0x3c: {  	s14 =	sadd.s32 s3, s14  }
0x3d: {  	s13 =	sadd.s32 s13, s14  }
0x3e: {  	[hbm4b:s13+s9] =	stream.strided.scatter [tilespmem:s15], [sflag:$0x2], $0x4000, s10, s9, $0x20;
	[tilespmem:$0x10100] =	vst v63  }
.LBB1_8:
0x3f: {  	_ =	sfence.sel $0x180000  }
0x40: {  	s2 =	simm.s32 $0x1;
	[bflag:$0x0] =	sbarrier.arrive $0xFFFF  }
0x41: {  	s31 =	simm.s32 $0x2;
	[sflag:s2] =	ssyncpa.u1 $0x1  }
0x42: {  	[sflag:s31] =	ssyncpa.u1 $0x1  }
0x43: {  	p0 =	sne.s32 s0, $0x0;
	_ =	strace $0x9000004A  }
0x44: {  	s0 =	sadd.s32 @!p0 $0x100000, s1;
	[bflag:$0x2] =	sbarrier.arrive $0xFFFF  }
0x45: {  	[sflag:s0] =	ssyncadd.tile.s32 @!p0 $0x1;
	_ =	shalt  }
.Lfunc_end1:
_tile_overlayer_lowered:
.L_overlay_start_2:
0x46: {  	(tag) =	ssettag $0x2  }
0x47: {  	s0 =	rddreg [dreg:$0x0];
	s2 =	stileid.u32  }
0x48: {  	s1 =	rddreg [dreg:$0x1];
	p0 =	sne.s32 s2, $0x0  }
0x49: {  	s3 =	rddreg [dreg:$0x2];
	[bflag:$0x3] =	sbarrier.arrive $0xFFFF;
	s2 =	simm.s32 @!p0 $0x1C01  }
0x4a: {  	[timem:s3], [sflag:s2] =	dma.local @!p0 [hbm:s0], s1  }
0x4b: {  	s0 =	simm.s32 @!p0 $0x1  }
0x4c: {  	_ =	swait.ge @!p0 [sflag:s0], s1  }
0x4d: {  	s1 =	ssub.s32 @!p0 $0x0, s1;
	[sflag:s0] =	ssyncset.done @!p0 $0x0  }
0x4e: {  	[sflag:s0] =	ssyncadd.s32 @!p0 s1  }
0x4f: {  	[bflag:$0x3] =	sbarrier.arrive $0xFFFF  }
0x50: {  	_ =	shalt  }

</sc_bundles>
